<compile_context>
chip_gen: v7x
topology: tpu7x:2x2x1
jax: 0.10.2.dev20260603
libtpu: 0.0.44.dev20260713+nightly
codegen_flags: <defaults>
</compile_context>

<pallas_src>
import jax
import jax.numpy as jnp
from jax import lax
from jax.experimental import pallas as pl
from jax.experimental.pallas import tpu as pltpu
from jax.experimental.pallas import tpu_sc as plsc

BATCH = 16384
N_FIELDS = 26
EMBED_DIM = 16
TABLE_ROWS = 1000000
T_PAD = 1000448

NC = 2
NS = 16
NW = NC * NS
B_PER_W = BATCH // NW
ITEMS_PER_CHUNK = 4
IDX_PER_CHUNK = ITEMS_PER_CHUNK * N_FIELDS
NCHUNKS = B_PER_W // ITEMS_PER_CHUNK
NBUF = 8
FLAT_PER_W = B_PER_W * N_FIELDS
OFF_TILE = 208
NVEC_OFF = OFF_TILE // EMBED_DIM
T_SLICE = T_PAD // NS

TC_BLK = 131072


def _tc_dot_kernel(tt_ref, w_ref, t_ref):
    t_ref[...] = jnp.sum(tt_ref[...] * (w_ref[...] * (1.0 / N_FIELDS)), axis=0)


def _sc_kernel(x_hbm, off_hbm, t_hbm, bias_hbm, out_hbm,
               t_sh, idx_v, off_v, b_v, acc_v,
               buf0, buf1, buf2, buf3, buf4, buf5, buf6, buf7,
               sem0, sem1, sem2, sem3, sem4, sem5, sem6, sem7, sem_stage):
    bufs = [buf0, buf1, buf2, buf3, buf4, buf5, buf6, buf7]
    sems = [sem0, sem1, sem2, sem3, sem4, sem5, sem6, sem7]

    sid = lax.axis_index("s")
    wid = sid * NC + lax.axis_index("c")
    base_flat = wid * FLAT_PER_W
    base_out = wid * B_PER_W

    sl = pl.ds(sid * T_SLICE, T_SLICE)
    stage_cp = pltpu.async_copy(t_hbm.at[sl], t_sh.at[sl], sem_stage)

    pltpu.sync_copy(x_hbm.at[pl.ds(base_flat, FLAT_PER_W)], idx_v)
    pltpu.sync_copy(off_hbm, off_v)
    pltpu.sync_copy(bias_hbm, b_v)

    off_regs = [off_v[pl.ds(k * EMBED_DIM, EMBED_DIM)] for k in range(NVEC_OFF)]

    def off_body(j, carry):
        p = j * OFF_TILE
        for k in range(NVEC_OFF):
            sl2 = pl.ds(p + k * EMBED_DIM, EMBED_DIM)
            idx_v[sl2] = idx_v[sl2] + off_regs[k]
        return carry

    lax.fori_loop(0, FLAT_PER_W // OFF_TILE, off_body, 0)

    stage_cp.wait()
    plsc.subcore_barrier()

    def gather_start(c, slot):
        idx_sl = idx_v.at[pl.ds(c * IDX_PER_CHUNK, IDX_PER_CHUNK)]
        pltpu.async_copy(t_sh.at[idx_sl], bufs[slot], sems[slot])

    def gather_wait(slot):
        idx_sl = idx_v.at[pl.ds(0, IDX_PER_CHUNK)]
        pltpu.make_async_copy(t_sh.at[idx_sl], bufs[slot], sems[slot]).wait()

    for b in range(NBUF):
        gather_start(b, b)

    lane_iota = lax.iota(jnp.int32, EMBED_DIM)
    WINDOWS = ((0, 0, 16, 10), (24, 2, 40, 12), (48, 4, 64, 14), (72, 6, 88, 16))

    ITEMS_PER_OUTER = NBUF * ITEMS_PER_CHUNK
    N_ACC = ITEMS_PER_OUTER // EMBED_DIM

    def outer(c0, carry):
        accs = [jnp.zeros((EMBED_DIM,), jnp.float32) for _ in range(N_ACC)]
        for b in range(NBUF):
            c = c0 * NBUF + b
            gather_wait(b)
            for item in range(ITEMS_PER_CHUNK):
                lo_off, lo_from, hi_off, hi_below = WINDOWS[item]
                v_lo = bufs[b][pl.ds(lo_off, EMBED_DIM)]
                v_hi = bufs[b][pl.ds(hi_off, EMBED_DIM)]
                if lo_from:
                    v_lo = jnp.where(lane_iota >= lo_from, v_lo, 0.0)
                if hi_below < EMBED_DIM:
                    v_hi = jnp.where(lane_iota < hi_below, v_hi, 0.0)
                v = v_lo + v_hi
                g = b * ITEMS_PER_CHUNK + item
                acc_i, lane = g // EMBED_DIM, g % EMBED_DIM
                accs[acc_i] = jnp.where(lane_iota == lane, jnp.sum(v), accs[acc_i])

            @pl.when(c + NBUF < NCHUNKS)
            def _():
                gather_start(c + NBUF, b)
        for i in range(N_ACC):
            acc_v[pl.ds(c0 * ITEMS_PER_OUTER + i * EMBED_DIM, EMBED_DIM)] = accs[i]
        return carry

    lax.fori_loop(0, NCHUNKS // NBUF, outer, 0)

    bv = b_v[...]

    def sig_body(v, carry):
        sl2 = pl.ds(v * EMBED_DIM, EMBED_DIM)
        z = acc_v[sl2] + bv
        acc_v[sl2] = 1.0 / (1.0 + jnp.exp(-z))
        return carry

    lax.fori_loop(0, B_PER_W // EMBED_DIM, sig_body, 0)

    pltpu.sync_copy(acc_v, out_hbm.at[pl.ds(base_out, B_PER_W)])


@jax.jit
def kernel(x, offsets, emb_table, W, b):
    x_flat = x.astype(jnp.int32).reshape(-1)
    off_tile = jnp.tile(offsets.astype(jnp.int32), OFF_TILE // N_FIELDS)
    b_vec = jnp.broadcast_to(b.astype(jnp.float32), (EMBED_DIM,))

    table_t = emb_table.T
    n_blk = (T_PAD + TC_BLK - 1) // TC_BLK
    t = pl.pallas_call(
        _tc_dot_kernel,
        grid=(n_blk,),
        in_specs=[
            pl.BlockSpec((EMBED_DIM, TC_BLK), lambda i: (0, i)),
            pl.BlockSpec((EMBED_DIM, 1), lambda i: (0, 0)),
        ],
        out_specs=pl.BlockSpec((TC_BLK,), lambda i: (i,)),
        out_shape=jax.ShapeDtypeStruct((T_PAD,), jnp.float32),
    )(table_t, W.astype(jnp.float32))

    mesh = plsc.VectorSubcoreMesh(core_axis_name="c", subcore_axis_name="s")
    run = pl.kernel(
        _sc_kernel,
        mesh=mesh,
        out_type=jax.ShapeDtypeStruct((BATCH,), jnp.float32),
        compiler_params=pltpu.CompilerParams(
            needs_layout_passes=False,
            use_tc_tiling_on_sc=False,
            skip_device_barrier=True,
        ),
        scratch_types=[
            pltpu.VMEM_SHARED((T_PAD,), jnp.float32),
            pltpu.VMEM((FLAT_PER_W,), jnp.int32),
            pltpu.VMEM((OFF_TILE,), jnp.int32),
            pltpu.VMEM((EMBED_DIM,), jnp.float32),
            pltpu.VMEM((B_PER_W,), jnp.float32),
        ] + [pltpu.VMEM((IDX_PER_CHUNK,), jnp.float32)] * NBUF
          + [pltpu.SemaphoreType.DMA] * (NBUF + 1),
    )
    return run(x_flat, off_tile, t, b_vec)

# --- scband reference (transcript-rebuilt; emitter-appended) ---
"""Pipeline reference for scband-logistic-regression-with-embedding-17368847745097 (READ-ONLY COPY).

The authoritative reference and input builder live on the scoring server;
editing this copy changes nothing except your own understanding.
"""

import jax, jax.numpy as jnp
import numpy as np

BATCH = 16384
N_FIELDS = 26
FIELD_DIM = 38461
TOTAL_FIELD_DIMS = 1000000
EMBED_DIM = 16
OUTPUT_DIM = 1


def setup_inputs(seed: int = 0) -> dict:
    key = jax.random.key(seed)
    k_x, k_emb, k_w, k_b = jax.random.split(key, 4)
    x = jax.random.randint(k_x, (BATCH, N_FIELDS), 0, FIELD_DIM, dtype=jnp.int64 if jax.config.jax_enable_x64 else jnp.int32)
    # xavier uniform for embedding table: bound = sqrt(6/(fan_in+fan_out))
    bound_e = float(np.sqrt(6.0 / (TOTAL_FIELD_DIMS + EMBED_DIM)))
    emb_table = jax.random.uniform(k_emb, (TOTAL_FIELD_DIMS, EMBED_DIM), minval=-bound_e, maxval=bound_e, dtype=jnp.float32)
    # torch Linear default init: U(-1/sqrt(fan_in), 1/sqrt(fan_in))
    bound_l = 1.0 / float(np.sqrt(EMBED_DIM))
    W = jax.random.uniform(k_w, (EMBED_DIM, OUTPUT_DIM), minval=-bound_l, maxval=bound_l, dtype=jnp.float32)
    b = jax.random.uniform(k_b, (OUTPUT_DIM,), minval=-bound_l, maxval=bound_l, dtype=jnp.float32)
    offsets = jnp.asarray(np.arange(N_FIELDS) * FIELD_DIM, dtype=x.dtype)
    return {"x": x, "offsets": offsets, "emb_table": emb_table, "W": W, "b": b}


def reference(x, offsets, emb_table, W, b):
    idx = x + offsets[None, :]                 # [B, F]
    e = jnp.take(emb_table, idx, axis=0)       # [B, F, D] gather
    pooled = e.mean(axis=1)                    # [B, D]
    logits = pooled @ W + b                    # [B, 1]
    y = jax.nn.sigmoid(logits)
    return jnp.squeeze(y, axis=1)              # [B]

if __name__ == "__main__":
    import jax
    _d = setup_inputs()
    print(jax.jit(kernel)(*tuple(_d.values())))

</pallas_src>

<mosaic_0001>
#map = affine_map<(d0, d1) -> (0)>
module attributes {stable_mosaic.version = 14 : i64} {
  func.func @_sc_kernel(%arg0: i32, %arg1: i32, %arg2: memref<425984xi32, #tpu.memory_space<hbm>>, %arg3: memref<208xi32, #tpu.memory_space<hbm>>, %arg4: memref<1000448xf32, #tpu.memory_space<hbm>>, %arg5: memref<16xf32, #tpu.memory_space<hbm>>, %arg6: memref<16384xf32, #tpu.memory_space<hbm>>, %arg7: memref<1000448xf32, #tpu.memory_space<vmem_shared>>, %arg8: memref<13312xi32, #tpu.memory_space<vmem>>, %arg9: memref<208xi32, #tpu.memory_space<vmem>>, %arg10: memref<16xf32, #tpu.memory_space<vmem>>, %arg11: memref<512xf32, #tpu.memory_space<vmem>>, %arg12: memref<104xf32, #tpu.memory_space<vmem>>, %arg13: memref<104xf32, #tpu.memory_space<vmem>>, %arg14: memref<104xf32, #tpu.memory_space<vmem>>, %arg15: memref<104xf32, #tpu.memory_space<vmem>>, %arg16: memref<104xf32, #tpu.memory_space<vmem>>, %arg17: memref<104xf32, #tpu.memory_space<vmem>>, %arg18: memref<104xf32, #tpu.memory_space<vmem>>, %arg19: memref<104xf32, #tpu.memory_space<vmem>>, %arg20: memref<!tpu.dma_semaphore, #tpu.memory_space<semaphore_mem>>, %arg21: memref<!tpu.dma_semaphore, #tpu.memory_space<semaphore_mem>>, %arg22: memref<!tpu.dma_semaphore, #tpu.memory_space<semaphore_mem>>, %arg23: memref<!tpu.dma_semaphore, #tpu.memory_space<semaphore_mem>>, %arg24: memref<!tpu.dma_semaphore, #tpu.memory_space<semaphore_mem>>, %arg25: memref<!tpu.dma_semaphore, #tpu.memory_space<semaphore_mem>>, %arg26: memref<!tpu.dma_semaphore, #tpu.memory_space<semaphore_mem>>, %arg27: memref<!tpu.dma_semaphore, #tpu.memory_space<semaphore_mem>>, %arg28: memref<!tpu.dma_semaphore, #tpu.memory_space<semaphore_mem>>) attributes {dimension_semantics = [#tpu.dimension_semantics<core_parallel>, #tpu.dimension_semantics<subcore_parallel>], iteration_bounds = array<i64: 2, 16>, scalar_prefetch = 0 : i64, scratch_operands = 22 : i64, tpu.core_type = #tpu.core_type<sc_vector_subcore>, window_params = [{transform_indices = #map}, {transform_indices = #map}, {transform_indices = #map}, {transform_indices = #map}, {transform_indices = #map}]} {
    %mul3A = arith.constant 2 : i32
    %mul3A_0 = arith.muli %arg1, %mul3A : i32
    %add3A = arith.addi %mul3A_0, %arg0 : i32
    %mul3A_1 = arith.constant 13312 : i32
    %mul3A_2 = arith.muli %add3A, %mul3A_1 : i32
    %mul3A_3 = arith.constant 512 : i32
    %mul3A_4 = arith.muli %add3A, %mul3A_3 : i32
    %mul3A_5 = arith.constant 62528 : i32
    %mul3A_6 = arith.muli %arg1, %mul3A_5 : i32
    %dma_start3A = tpu.memref_slice %arg7[%mul3A_6] : memref<1000448xf32, #tpu.memory_space<vmem_shared>> -> memref<62528xf32, #tpu.memory_space<vmem_shared>>
    %dma_start3A_7 = tpu.memref_slice %arg4[%mul3A_6] : memref<1000448xf32, #tpu.memory_space<hbm>> -> memref<62528xf32, #tpu.memory_space<hbm>>
    tpu.enqueue_dma source(%dma_start3A_7 : memref<62528xf32, #tpu.memory_space<hbm>>) target(%dma_start3A : memref<62528xf32, #tpu.memory_space<vmem_shared>>) target_semaphore(%arg28 : memref<!tpu.dma_semaphore, #tpu.memory_space<semaphore_mem>>)
    "tpu.region"() ({
      %run_scoped3A = tpu.sem_alloc : memref<!tpu.dma_semaphore, #tpu.memory_space<semaphore_mem>>
      %dma_start3A_85 = tpu.memref_slice %arg2[%mul3A_2] : memref<425984xi32, #tpu.memory_space<hbm>> -> memref<13312xi32, #tpu.memory_space<hbm>>
      %dma_start3A_86 = tpu.memref_slice %arg2[%mul3A_2] : memref<425984xi32, #tpu.memory_space<hbm>> -> memref<13312xi32, #tpu.memory_space<hbm>>
      tpu.enqueue_dma source(%dma_start3A_86 : memref<13312xi32, #tpu.memory_space<hbm>>) target(%arg8 : memref<13312xi32, #tpu.memory_space<vmem>>) target_semaphore(%run_scoped3A : memref<!tpu.dma_semaphore, #tpu.memory_space<semaphore_mem>>)
      %dma_wait3A_87 = tpu.memref_slice %arg2[%mul3A_2] : memref<425984xi32, #tpu.memory_space<hbm>> -> memref<13312xi32, #tpu.memory_space<hbm>>
      %dma_wait3A_88 = tpu.memref_slice %arg2[%mul3A_2] : memref<425984xi32, #tpu.memory_space<hbm>> -> memref<13312xi32, #tpu.memory_space<hbm>>
      tpu.wait_dma2 semaphore(%run_scoped3A : memref<!tpu.dma_semaphore, #tpu.memory_space<semaphore_mem>>) src(%dma_wait3A_88 : memref<13312xi32, #tpu.memory_space<hbm>>) dst(%arg8 : memref<13312xi32, #tpu.memory_space<vmem>>)
      tpu.yield
    }) : () -> ()
    "tpu.region"() ({
      %run_scoped3A = tpu.sem_alloc : memref<!tpu.dma_semaphore, #tpu.memory_space<semaphore_mem>>
      tpu.enqueue_dma source(%arg3 : memref<208xi32, #tpu.memory_space<hbm>>) target(%arg9 : memref<208xi32, #tpu.memory_space<vmem>>) target_semaphore(%run_scoped3A : memref<!tpu.dma_semaphore, #tpu.memory_space<semaphore_mem>>)
      tpu.wait_dma2 semaphore(%run_scoped3A : memref<!tpu.dma_semaphore, #tpu.memory_space<semaphore_mem>>) src(%arg3 : memref<208xi32, #tpu.memory_space<hbm>>) dst(%arg9 : memref<208xi32, #tpu.memory_space<vmem>>)
      tpu.yield
    }) : () -> ()
    "tpu.region"() ({
      %run_scoped3A = tpu.sem_alloc : memref<!tpu.dma_semaphore, #tpu.memory_space<semaphore_mem>>
      tpu.enqueue_dma source(%arg5 : memref<16xf32, #tpu.memory_space<hbm>>) target(%arg10 : memref<16xf32, #tpu.memory_space<vmem>>) target_semaphore(%run_scoped3A : memref<!tpu.dma_semaphore, #tpu.memory_space<semaphore_mem>>)
      tpu.wait_dma2 semaphore(%run_scoped3A : memref<!tpu.dma_semaphore, #tpu.memory_space<semaphore_mem>>) src(%arg5 : memref<16xf32, #tpu.memory_space<hbm>>) dst(%arg10 : memref<16xf32, #tpu.memory_space<vmem>>)
      tpu.yield
    }) : () -> ()
    %get3A = arith.constant 0 : index
    %get3A_8 = tpu.vector_load %arg9[%get3A] {strides = array<i32>} : memref<208xi32, #tpu.memory_space<vmem>>, vector<16xi32>,
    %get3A_9 = arith.constant 16 : index
    %get3A_10 = tpu.vector_load %arg9[%get3A_9] {strides = array<i32>} : memref<208xi32, #tpu.memory_space<vmem>>, vector<16xi32>,
    %get3A_11 = arith.constant 32 : index
    %get3A_12 = tpu.vector_load %arg9[%get3A_11] {strides = array<i32>} : memref<208xi32, #tpu.memory_space<vmem>>, vector<16xi32>,
    %get3A_13 = arith.constant 48 : index
    %get3A_14 = tpu.vector_load %arg9[%get3A_13] {strides = array<i32>} : memref<208xi32, #tpu.memory_space<vmem>>, vector<16xi32>,
    %get3A_15 = arith.constant 64 : index
    %get3A_16 = tpu.vector_load %arg9[%get3A_15] {strides = array<i32>} : memref<208xi32, #tpu.memory_space<vmem>>, vector<16xi32>,
    %get3A_17 = arith.constant 80 : index
    %get3A_18 = tpu.vector_load %arg9[%get3A_17] {strides = array<i32>} : memref<208xi32, #tpu.memory_space<vmem>>, vector<16xi32>,
    %get3A_19 = arith.constant 96 : index
    %get3A_20 = tpu.vector_load %arg9[%get3A_19] {strides = array<i32>} : memref<208xi32, #tpu.memory_space<vmem>>, vector<16xi32>,
    %get3A_21 = arith.constant 112 : index
    %get3A_22 = tpu.vector_load %arg9[%get3A_21] {strides = array<i32>} : memref<208xi32, #tpu.memory_space<vmem>>, vector<16xi32>,
    %get3A_23 = arith.constant 128 : index
    %get3A_24 = tpu.vector_load %arg9[%get3A_23] {strides = array<i32>} : memref<208xi32, #tpu.memory_space<vmem>>, vector<16xi32>,
    %get3A_25 = arith.constant 144 : index
    %get3A_26 = tpu.vector_load %arg9[%get3A_25] {strides = array<i32>} : memref<208xi32, #tpu.memory_space<vmem>>, vector<16xi32>,
    %get3A_27 = arith.constant 160 : index
    %get3A_28 = tpu.vector_load %arg9[%get3A_27] {strides = array<i32>} : memref<208xi32, #tpu.memory_space<vmem>>, vector<16xi32>,
    %get3A_29 = arith.constant 176 : index
    %get3A_30 = tpu.vector_load %arg9[%get3A_29] {strides = array<i32>} : memref<208xi32, #tpu.memory_space<vmem>>, vector<16xi32>,
    %get3A_31 = arith.constant 192 : index
    %get3A_32 = tpu.vector_load %arg9[%get3A_31] {strides = array<i32>} : memref<208xi32, #tpu.memory_space<vmem>>, vector<16xi32>,
    %scan3A = arith.constant 0 : i32
    %scan3A_33 = arith.constant 0 : i32
    %scan3A_34 = arith.constant 64 : i32
    %scan3A_35 = arith.addi %scan3A_33, %scan3A_34 : i32
    %scan3A_36 = arith.constant 1 : i32
    scf.for %scan3A_85 = %scan3A_33 to %scan3A_35 step %scan3A_36  : i32 {
      %mul3A_86 = arith.constant 208 : i32
      %mul3A_87 = arith.muli %scan3A_85, %mul3A_86 : i32
      %add3A_88 = arith.constant 0 : i32
      %add3A_89 = arith.addi %mul3A_87, %add3A_88 : i32
      %get3A_90 = arith.index_cast %add3A_89 : i32 to index
      %get3A_91 = tpu.vector_load %arg8[%get3A_90] {strides = array<i32>} : memref<13312xi32, #tpu.memory_space<vmem>>, vector<16xi32>,
      %add3A_92 = arith.addi %get3A_91, %get3A_8 : vector<16xi32>
      %swap3A = arith.index_cast %add3A_89 : i32 to index
      %swap3A_93 = tpu.vector_load %arg8[%swap3A] {strides = array<i32>} : memref<13312xi32, #tpu.memory_space<vmem>>, vector<16xi32>,
      tpu.vector_store %arg8[%swap3A], %add3A_92 {strides = array<i32>} : memref<13312xi32, #tpu.memory_space<vmem>>, vector<16xi32>,
      %add3A_94 = arith.constant 16 : i32
      %add3A_95 = arith.addi %mul3A_87, %add3A_94 : i32
      %get3A_96 = arith.index_cast %add3A_95 : i32 to index
      %get3A_97 = tpu.vector_load %arg8[%get3A_96] {strides = array<i32>} : memref<13312xi32, #tpu.memory_space<vmem>>, vector<16xi32>,
      %add3A_98 = arith.addi %get3A_97, %get3A_10 : vector<16xi32>
      %swap3A_99 = arith.index_cast %add3A_95 : i32 to index
      %swap3A_100 = tpu.vector_load %arg8[%swap3A_99] {strides = array<i32>} : memref<13312xi32, #tpu.memory_space<vmem>>, vector<16xi32>,
      tpu.vector_store %arg8[%swap3A_99], %add3A_98 {strides = array<i32>} : memref<13312xi32, #tpu.memory_space<vmem>>, vector<16xi32>,
      %add3A_101 = arith.constant 32 : i32
      %add3A_102 = arith.addi %mul3A_87, %add3A_101 : i32
      %get3A_103 = arith.index_cast %add3A_102 : i32 to index
      %get3A_104 = tpu.vector_load %arg8[%get3A_103] {strides = array<i32>} : memref<13312xi32, #tpu.memory_space<vmem>>, vector<16xi32>,
      %add3A_105 = arith.addi %get3A_104, %get3A_12 : vector<16xi32>
      %swap3A_106 = arith.index_cast %add3A_102 : i32 to index
      %swap3A_107 = tpu.vector_load %arg8[%swap3A_106] {strides = array<i32>} : memref<13312xi32, #tpu.memory_space<vmem>>, vector<16xi32>,
      tpu.vector_store %arg8[%swap3A_106], %add3A_105 {strides = array<i32>} : memref<13312xi32, #tpu.memory_space<vmem>>, vector<16xi32>,
      %add3A_108 = arith.constant 48 : i32
      %add3A_109 = arith.addi %mul3A_87, %add3A_108 : i32
      %get3A_110 = arith.index_cast %add3A_109 : i32 to index
      %get3A_111 = tpu.vector_load %arg8[%get3A_110] {strides = array<i32>} : memref<13312xi32, #tpu.memory_space<vmem>>, vector<16xi32>,
      %add3A_112 = arith.addi %get3A_111, %get3A_14 : vector<16xi32>
      %swap3A_113 = arith.index_cast %add3A_109 : i32 to index
      %swap3A_114 = tpu.vector_load %arg8[%swap3A_113] {strides = array<i32>} : memref<13312xi32, #tpu.memory_space<vmem>>, vector<16xi32>,
      tpu.vector_store %arg8[%swap3A_113], %add3A_112 {strides = array<i32>} : memref<13312xi32, #tpu.memory_space<vmem>>, vector<16xi32>,
      %add3A_115 = arith.constant 64 : i32
      %add3A_116 = arith.addi %mul3A_87, %add3A_115 : i32
      %get3A_117 = arith.index_cast %add3A_116 : i32 to index
      %get3A_118 = tpu.vector_load %arg8[%get3A_117] {strides = array<i32>} : memref<13312xi32, #tpu.memory_space<vmem>>, vector<16xi32>,
      %add3A_119 = arith.addi %get3A_118, %get3A_16 : vector<16xi32>
      %swap3A_120 = arith.index_cast %add3A_116 : i32 to index
      %swap3A_121 = tpu.vector_load %arg8[%swap3A_120] {strides = array<i32>} : memref<13312xi32, #tpu.memory_space<vmem>>, vector<16xi32>,
      tpu.vector_store %arg8[%swap3A_120], %add3A_119 {strides = array<i32>} : memref<13312xi32, #tpu.memory_space<vmem>>, vector<16xi32>,
      %add3A_122 = arith.constant 80 : i32
      %add3A_123 = arith.addi %mul3A_87, %add3A_122 : i32
      %get3A_124 = arith.index_cast %add3A_123 : i32 to index
      %get3A_125 = tpu.vector_load %arg8[%get3A_124] {strides = array<i32>} : memref<13312xi32, #tpu.memory_space<vmem>>, vector<16xi32>,
      %add3A_126 = arith.addi %get3A_125, %get3A_18 : vector<16xi32>
      %swap3A_127 = arith.index_cast %add3A_123 : i32 to index
      %swap3A_128 = tpu.vector_load %arg8[%swap3A_127] {strides = array<i32>} : memref<13312xi32, #tpu.memory_space<vmem>>, vector<16xi32>,
      tpu.vector_store %arg8[%swap3A_127], %add3A_126 {strides = array<i32>} : memref<13312xi32, #tpu.memory_space<vmem>>, vector<16xi32>,
      %add3A_129 = arith.constant 96 : i32
      %add3A_130 = arith.addi %mul3A_87, %add3A_129 : i32
      %get3A_131 = arith.index_cast %add3A_130 : i32 to index
      %get3A_132 = tpu.vector_load %arg8[%get3A_131] {strides = array<i32>} : memref<13312xi32, #tpu.memory_space<vmem>>, vector<16xi32>,
      %add3A_133 = arith.addi %get3A_132, %get3A_20 : vector<16xi32>
      %swap3A_134 = arith.index_cast %add3A_130 : i32 to index
      %swap3A_135 = tpu.vector_load %arg8[%swap3A_134] {strides = array<i32>} : memref<13312xi32, #tpu.memory_space<vmem>>, vector<16xi32>,
      tpu.vector_store %arg8[%swap3A_134], %add3A_133 {strides = array<i32>} : memref<13312xi32, #tpu.memory_space<vmem>>, vector<16xi32>,
      %add3A_136 = arith.constant 112 : i32
      %add3A_137 = arith.addi %mul3A_87, %add3A_136 : i32
      %get3A_138 = arith.index_cast %add3A_137 : i32 to index
      %get3A_139 = tpu.vector_load %arg8[%get3A_138] {strides = array<i32>} : memref<13312xi32, #tpu.memory_space<vmem>>, vector<16xi32>,
      %add3A_140 = arith.addi %get3A_139, %get3A_22 : vector<16xi32>
      %swap3A_141 = arith.index_cast %add3A_137 : i32 to index
      %swap3A_142 = tpu.vector_load %arg8[%swap3A_141] {strides = array<i32>} : memref<13312xi32, #tpu.memory_space<vmem>>, vector<16xi32>,
      tpu.vector_store %arg8[%swap3A_141], %add3A_140 {strides = array<i32>} : memref<13312xi32, #tpu.memory_space<vmem>>, vector<16xi32>,
      %add3A_143 = arith.constant 128 : i32
      %add3A_144 = arith.addi %mul3A_87, %add3A_143 : i32
      %get3A_145 = arith.index_cast %add3A_144 : i32 to index
      %get3A_146 = tpu.vector_load %arg8[%get3A_145] {strides = array<i32>} : memref<13312xi32, #tpu.memory_space<vmem>>, vector<16xi32>,
      %add3A_147 = arith.addi %get3A_146, %get3A_24 : vector<16xi32>
      %swap3A_148 = arith.index_cast %add3A_144 : i32 to index
      %swap3A_149 = tpu.vector_load %arg8[%swap3A_148] {strides = array<i32>} : memref<13312xi32, #tpu.memory_space<vmem>>, vector<16xi32>,
      tpu.vector_store %arg8[%swap3A_148], %add3A_147 {strides = array<i32>} : memref<13312xi32, #tpu.memory_space<vmem>>, vector<16xi32>,
      %add3A_150 = arith.constant 144 : i32
      %add3A_151 = arith.addi %mul3A_87, %add3A_150 : i32
      %get3A_152 = arith.index_cast %add3A_151 : i32 to index
      %get3A_153 = tpu.vector_load %arg8[%get3A_152] {strides = array<i32>} : memref<13312xi32, #tpu.memory_space<vmem>>, vector<16xi32>,
      %add3A_154 = arith.addi %get3A_153, %get3A_26 : vector<16xi32>
      %swap3A_155 = arith.index_cast %add3A_151 : i32 to index
      %swap3A_156 = tpu.vector_load %arg8[%swap3A_155] {strides = array<i32>} : memref<13312xi32, #tpu.memory_space<vmem>>, vector<16xi32>,
      tpu.vector_store %arg8[%swap3A_155], %add3A_154 {strides = array<i32>} : memref<13312xi32, #tpu.memory_space<vmem>>, vector<16xi32>,
      %add3A_157 = arith.constant 160 : i32
      %add3A_158 = arith.addi %mul3A_87, %add3A_157 : i32
      %get3A_159 = arith.index_cast %add3A_158 : i32 to index
      %get3A_160 = tpu.vector_load %arg8[%get3A_159] {strides = array<i32>} : memref<13312xi32, #tpu.memory_space<vmem>>, vector<16xi32>,
      %add3A_161 = arith.addi %get3A_160, %get3A_28 : vector<16xi32>
      %swap3A_162 = arith.index_cast %add3A_158 : i32 to index
      %swap3A_163 = tpu.vector_load %arg8[%swap3A_162] {strides = array<i32>} : memref<13312xi32, #tpu.memory_space<vmem>>, vector<16xi32>,
      tpu.vector_store %arg8[%swap3A_162], %add3A_161 {strides = array<i32>} : memref<13312xi32, #tpu.memory_space<vmem>>, vector<16xi32>,
      %add3A_164 = arith.constant 176 : i32
      %add3A_165 = arith.addi %mul3A_87, %add3A_164 : i32
      %get3A_166 = arith.index_cast %add3A_165 : i32 to index
      %get3A_167 = tpu.vector_load %arg8[%get3A_166] {strides = array<i32>} : memref<13312xi32, #tpu.memory_space<vmem>>, vector<16xi32>,
      %add3A_168 = arith.addi %get3A_167, %get3A_30 : vector<16xi32>
      %swap3A_169 = arith.index_cast %add3A_165 : i32 to index
      %swap3A_170 = tpu.vector_load %arg8[%swap3A_169] {strides = array<i32>} : memref<13312xi32, #tpu.memory_space<vmem>>, vector<16xi32>,
      tpu.vector_store %arg8[%swap3A_169], %add3A_168 {strides = array<i32>} : memref<13312xi32, #tpu.memory_space<vmem>>, vector<16xi32>,
      %add3A_171 = arith.constant 192 : i32
      %add3A_172 = arith.addi %mul3A_87, %add3A_171 : i32
      %get3A_173 = arith.index_cast %add3A_172 : i32 to index
      %get3A_174 = tpu.vector_load %arg8[%get3A_173] {strides = array<i32>} : memref<13312xi32, #tpu.memory_space<vmem>>, vector<16xi32>,
      %add3A_175 = arith.addi %get3A_174, %get3A_32 : vector<16xi32>
      %swap3A_176 = arith.index_cast %add3A_172 : i32 to index
      %swap3A_177 = tpu.vector_load %arg8[%swap3A_176] {strides = array<i32>} : memref<13312xi32, #tpu.memory_space<vmem>>, vector<16xi32>,
      tpu.vector_store %arg8[%swap3A_176], %add3A_175 {strides = array<i32>} : memref<13312xi32, #tpu.memory_space<vmem>>, vector<16xi32>,
    }
    %scan3A_37 = arith.constant 64 : i32
    %dma_wait3A = tpu.memref_slice %arg7[%mul3A_6] : memref<1000448xf32, #tpu.memory_space<vmem_shared>> -> memref<62528xf32, #tpu.memory_space<vmem_shared>>
    %dma_wait3A_38 = tpu.memref_slice %arg4[%mul3A_6] : memref<1000448xf32, #tpu.memory_space<hbm>> -> memref<62528xf32, #tpu.memory_space<hbm>>
    tpu.wait_dma2 semaphore(%arg28 : memref<!tpu.dma_semaphore, #tpu.memory_space<semaphore_mem>>) src(%dma_wait3A_38 : memref<62528xf32, #tpu.memory_space<hbm>>) dst(%dma_wait3A : memref<62528xf32, #tpu.memory_space<vmem_shared>>)
    %barrier3A = arith.constant 0 : index
    tpu.barrier barrier_id(%barrier3A)
    %dma_start3A_39 = arith.constant 0 : i32
    %dma_start3A_40 = tpu.memref_slice %arg8[%dma_start3A_39] : memref<13312xi32, #tpu.memory_space<vmem>> -> memref<104xi32, #tpu.memory_space<vmem>>
    %dma_start3A_41 = arith.constant 0 : i32
    %dma_start3A_42 = tpu.memref_slice %arg7[%dma_start3A_41] : memref<1000448xf32, #tpu.memory_space<vmem_shared>> -> memref<1000448xf32, #tpu.memory_space<vmem_shared>>
    tpu.enqueue_indirect_dma source(%dma_start3A_42 : memref<1000448xf32, #tpu.memory_space<vmem_shared>>) target(%arg12 : memref<104xf32, #tpu.memory_space<vmem>>) offsets(%dma_start3A_40 : memref<104xi32, #tpu.memory_space<vmem>>) semaphore(%arg20 : memref<!tpu.dma_semaphore, #tpu.memory_space<semaphore_mem>>)
    %dma_start3A_43 = arith.constant 104 : i32
    %dma_start3A_44 = tpu.memref_slice %arg8[%dma_start3A_43] : memref<13312xi32, #tpu.memory_space<vmem>> -> memref<104xi32, #tpu.memory_space<vmem>>
    %dma_start3A_45 = arith.constant 0 : i32
    %dma_start3A_46 = tpu.memref_slice %arg7[%dma_start3A_45] : memref<1000448xf32, #tpu.memory_space<vmem_shared>> -> memref<1000448xf32, #tpu.memory_space<vmem_shared>>
    tpu.enqueue_indirect_dma source(%dma_start3A_46 : memref<1000448xf32, #tpu.memory_space<vmem_shared>>) target(%arg13 : memref<104xf32, #tpu.memory_space<vmem>>) offsets(%dma_start3A_44 : memref<104xi32, #tpu.memory_space<vmem>>) semaphore(%arg21 : memref<!tpu.dma_semaphore, #tpu.memory_space<semaphore_mem>>)
    %dma_start3A_47 = arith.constant 208 : i32
    %dma_start3A_48 = tpu.memref_slice %arg8[%dma_start3A_47] : memref<13312xi32, #tpu.memory_space<vmem>> -> memref<104xi32, #tpu.memory_space<vmem>>
    %dma_start3A_49 = arith.constant 0 : i32
    %dma_start3A_50 = tpu.memref_slice %arg7[%dma_start3A_49] : memref<1000448xf32, #tpu.memory_space<vmem_shared>> -> memref<1000448xf32, #tpu.memory_space<vmem_shared>>
    tpu.enqueue_indirect_dma source(%dma_start3A_50 : memref<1000448xf32, #tpu.memory_space<vmem_shared>>) target(%arg14 : memref<104xf32, #tpu.memory_space<vmem>>) offsets(%dma_start3A_48 : memref<104xi32, #tpu.memory_space<vmem>>) semaphore(%arg22 : memref<!tpu.dma_semaphore, #tpu.memory_space<semaphore_mem>>)
    %dma_start3A_51 = arith.constant 312 : i32
    %dma_start3A_52 = tpu.memref_slice %arg8[%dma_start3A_51] : memref<13312xi32, #tpu.memory_space<vmem>> -> memref<104xi32, #tpu.memory_space<vmem>>
    %dma_start3A_53 = arith.constant 0 : i32
    %dma_start3A_54 = tpu.memref_slice %arg7[%dma_start3A_53] : memref<1000448xf32, #tpu.memory_space<vmem_shared>> -> memref<1000448xf32, #tpu.memory_space<vmem_shared>>
    tpu.enqueue_indirect_dma source(%dma_start3A_54 : memref<1000448xf32, #tpu.memory_space<vmem_shared>>) target(%arg15 : memref<104xf32, #tpu.memory_space<vmem>>) offsets(%dma_start3A_52 : memref<104xi32, #tpu.memory_space<vmem>>) semaphore(%arg23 : memref<!tpu.dma_semaphore, #tpu.memory_space<semaphore_mem>>)
    %dma_start3A_55 = arith.constant 416 : i32
    %dma_start3A_56 = tpu.memref_slice %arg8[%dma_start3A_55] : memref<13312xi32, #tpu.memory_space<vmem>> -> memref<104xi32, #tpu.memory_space<vmem>>
    %dma_start3A_57 = arith.constant 0 : i32
    %dma_start3A_58 = tpu.memref_slice %arg7[%dma_start3A_57] : memref<1000448xf32, #tpu.memory_space<vmem_shared>> -> memref<1000448xf32, #tpu.memory_space<vmem_shared>>
    tpu.enqueue_indirect_dma source(%dma_start3A_58 : memref<1000448xf32, #tpu.memory_space<vmem_shared>>) target(%arg16 : memref<104xf32, #tpu.memory_space<vmem>>) offsets(%dma_start3A_56 : memref<104xi32, #tpu.memory_space<vmem>>) semaphore(%arg24 : memref<!tpu.dma_semaphore, #tpu.memory_space<semaphore_mem>>)
    %dma_start3A_59 = arith.constant 520 : i32
    %dma_start3A_60 = tpu.memref_slice %arg8[%dma_start3A_59] : memref<13312xi32, #tpu.memory_space<vmem>> -> memref<104xi32, #tpu.memory_space<vmem>>
    %dma_start3A_61 = arith.constant 0 : i32
    %dma_start3A_62 = tpu.memref_slice %arg7[%dma_start3A_61] : memref<1000448xf32, #tpu.memory_space<vmem_shared>> -> memref<1000448xf32, #tpu.memory_space<vmem_shared>>
    tpu.enqueue_indirect_dma source(%dma_start3A_62 : memref<1000448xf32, #tpu.memory_space<vmem_shared>>) target(%arg17 : memref<104xf32, #tpu.memory_space<vmem>>) offsets(%dma_start3A_60 : memref<104xi32, #tpu.memory_space<vmem>>) semaphore(%arg25 : memref<!tpu.dma_semaphore, #tpu.memory_space<semaphore_mem>>)
    %dma_start3A_63 = arith.constant 624 : i32
    %dma_start3A_64 = tpu.memref_slice %arg8[%dma_start3A_63] : memref<13312xi32, #tpu.memory_space<vmem>> -> memref<104xi32, #tpu.memory_space<vmem>>
    %dma_start3A_65 = arith.constant 0 : i32
    %dma_start3A_66 = tpu.memref_slice %arg7[%dma_start3A_65] : memref<1000448xf32, #tpu.memory_space<vmem_shared>> -> memref<1000448xf32, #tpu.memory_space<vmem_shared>>
    tpu.enqueue_indirect_dma source(%dma_start3A_66 : memref<1000448xf32, #tpu.memory_space<vmem_shared>>) target(%arg18 : memref<104xf32, #tpu.memory_space<vmem>>) offsets(%dma_start3A_64 : memref<104xi32, #tpu.memory_space<vmem>>) semaphore(%arg26 : memref<!tpu.dma_semaphore, #tpu.memory_space<semaphore_mem>>)
    %dma_start3A_67 = arith.constant 728 : i32
    %dma_start3A_68 = tpu.memref_slice %arg8[%dma_start3A_67] : memref<13312xi32, #tpu.memory_space<vmem>> -> memref<104xi32, #tpu.memory_space<vmem>>
    %dma_start3A_69 = arith.constant 0 : i32
    %dma_start3A_70 = tpu.memref_slice %arg7[%dma_start3A_69] : memref<1000448xf32, #tpu.memory_space<vmem_shared>> -> memref<1000448xf32, #tpu.memory_space<vmem_shared>>
    tpu.enqueue_indirect_dma source(%dma_start3A_70 : memref<1000448xf32, #tpu.memory_space<vmem_shared>>) target(%arg19 : memref<104xf32, #tpu.memory_space<vmem>>) offsets(%dma_start3A_68 : memref<104xi32, #tpu.memory_space<vmem>>) semaphore(%arg27 : memref<!tpu.dma_semaphore, #tpu.memory_space<semaphore_mem>>)
    %iota3A = tpu.iota {dimensions = array<i32: 0>} : vector<16xi32>
    %scan3A_71 = arith.constant 0 : i32
    %scan3A_72 = arith.constant 0 : i32
    %scan3A_73 = arith.constant 16 : i32
    %scan3A_74 = arith.addi %scan3A_72, %scan3A_73 : i32
    %scan3A_75 = arith.constant 1 : i32
    scf.for %scan3A_85 = %scan3A_72 to %scan3A_74 step %scan3A_75  : i32 {
      %broadcast_in_dim3A = arith.constant 0.000000e+00 : f32
      %broadcast_in_dim3A_86 = vector.broadcast %broadcast_in_dim3A : f32 to vector<16xf32>
      %broadcast_in_dim3A_87 = arith.constant 0.000000e+00 : f32
      %broadcast_in_dim3A_88 = vector.broadcast %broadcast_in_dim3A_87 : f32 to vector<16xf32>
      %mul3A_89 = arith.constant 8 : i32
      %mul3A_90 = arith.muli %scan3A_85, %mul3A_89 : i32
      %add3A_91 = arith.constant 0 : i32
      %add3A_92 = arith.addi %mul3A_90, %add3A_91 : i32
      %dma_wait3A_93 = arith.constant 0 : i32
      %dma_wait3A_94 = tpu.memref_slice %arg8[%dma_wait3A_93] : memref<13312xi32, #tpu.memory_space<vmem>> -> memref<104xi32, #tpu.memory_space<vmem>>
      %dma_wait3A_95 = arith.constant 0 : i32
      %dma_wait3A_96 = tpu.memref_slice %arg7[%dma_wait3A_95] : memref<1000448xf32, #tpu.memory_space<vmem_shared>> -> memref<1000448xf32, #tpu.memory_space<vmem_shared>>
      tpu.wait_indirect_dma semaphore(%arg20 : memref<!tpu.dma_semaphore, #tpu.memory_space<semaphore_mem>>) src(%dma_wait3A_96 : memref<1000448xf32, #tpu.memory_space<vmem_shared>>) dst(%arg12 : memref<104xf32, #tpu.memory_space<vmem>>)
      %get3A_97 = arith.constant 0 : index
      %get3A_98 = tpu.vector_load %arg12[%get3A_97] {strides = array<i32>} : memref<104xf32, #tpu.memory_space<vmem>>, vector<16xf32>,
      %get3A_99 = arith.constant 16 : index
      %get3A_100 = tpu.vector_load %arg12[%get3A_99] {strides = array<i32>} : memref<104xf32, #tpu.memory_space<vmem>>, vector<16xf32>,
      %lt3A = arith.constant 10 : i32
      %lt3A_101 = vector.broadcast %lt3A : i32 to vector<16xi32>
      %lt3A_102 = arith.cmpi slt, %iota3A, %lt3A_101 : vector<16xi32>
      %jit3A = arith.constant 0.000000e+00 : f32
      %broadcast_in_dim3A_103 = vector.broadcast %jit3A : f32 to vector<16xf32>
      %select_n3A = arith.select %lt3A_102, %get3A_100, %broadcast_in_dim3A_103 : vector<16xi1>, vector<16xf32>
      %add3A_104 = arith.addf %get3A_98, %select_n3A : vector<16xf32>
      %eq3A = arith.constant 0 : i32
      %eq3A_105 = vector.broadcast %eq3A : i32 to vector<16xi32>
      %eq3A_106 = arith.cmpi eq, %iota3A, %eq3A_105 : vector<16xi32>
      %reduce_sum3A = arith.constant true
      %reduce_sum3A_107 = vector.broadcast %reduce_sum3A : i1 to vector<16xi1>
      %reduce_sum3A_108 = tpu.scan <sum>, %add3A_104 masked %reduce_sum3A_107 : vector<16xf32>, vector<16xi1> -> vector<16xf32>
      %reduce_sum3A_109 = vector.extract %reduce_sum3A_108[15] : f32 from vector<16xf32>
      %broadcast_in_dim3A_110 = vector.broadcast %reduce_sum3A_109 : f32 to vector<16xf32>
      %select_n3A_111 = arith.select %eq3A_106, %broadcast_in_dim3A_110, %broadcast_in_dim3A_86 : vector<16xi1>, vector<16xf32>
      %get3A_112 = arith.constant 24 : index
      %get3A_113 = tpu.vector_load %arg12[%get3A_112] {strides = array<i32>} : memref<104xf32, #tpu.memory_space<vmem>>, vector<16xf32>,
      %get3A_114 = arith.constant 40 : index
      %get3A_115 = tpu.vector_load %arg12[%get3A_114] {strides = array<i32>} : memref<104xf32, #tpu.memory_space<vmem>>, vector<16xf32>,
      %ge3A = arith.constant 2 : i32
      %ge3A_116 = vector.broadcast %ge3A : i32 to vector<16xi32>
      %ge3A_117 = arith.cmpi sge, %iota3A, %ge3A_116 : vector<16xi32>
      %jit3A_118 = arith.constant 0.000000e+00 : f32
      %broadcast_in_dim3A_119 = vector.broadcast %jit3A_118 : f32 to vector<16xf32>
      %select_n3A_120 = arith.select %ge3A_117, %get3A_113, %broadcast_in_dim3A_119 : vector<16xi1>, vector<16xf32>
      %lt3A_121 = arith.constant 12 : i32
      %lt3A_122 = vector.broadcast %lt3A_121 : i32 to vector<16xi32>
      %lt3A_123 = arith.cmpi slt, %iota3A, %lt3A_122 : vector<16xi32>
      %jit3A_124 = arith.constant 0.000000e+00 : f32
      %broadcast_in_dim3A_125 = vector.broadcast %jit3A_124 : f32 to vector<16xf32>
      %select_n3A_126 = arith.select %lt3A_123, %get3A_115, %broadcast_in_dim3A_125 : vector<16xi1>, vector<16xf32>
      %add3A_127 = arith.addf %select_n3A_120, %select_n3A_126 : vector<16xf32>
      %eq3A_128 = arith.constant 1 : i32
      %eq3A_129 = vector.broadcast %eq3A_128 : i32 to vector<16xi32>
      %eq3A_130 = arith.cmpi eq, %iota3A, %eq3A_129 : vector<16xi32>
      %reduce_sum3A_131 = arith.constant true
      %reduce_sum3A_132 = vector.broadcast %reduce_sum3A_131 : i1 to vector<16xi1>
      %reduce_sum3A_133 = tpu.scan <sum>, %add3A_127 masked %reduce_sum3A_132 : vector<16xf32>, vector<16xi1> -> vector<16xf32>
      %reduce_sum3A_134 = vector.extract %reduce_sum3A_133[15] : f32 from vector<16xf32>
      %broadcast_in_dim3A_135 = vector.broadcast %reduce_sum3A_134 : f32 to vector<16xf32>
      %select_n3A_136 = arith.select %eq3A_130, %broadcast_in_dim3A_135, %select_n3A_111 : vector<16xi1>, vector<16xf32>
      %get3A_137 = arith.constant 48 : index
      %get3A_138 = tpu.vector_load %arg12[%get3A_137] {strides = array<i32>} : memref<104xf32, #tpu.memory_space<vmem>>, vector<16xf32>,
      %get3A_139 = arith.constant 64 : index
      %get3A_140 = tpu.vector_load %arg12[%get3A_139] {strides = array<i32>} : memref<104xf32, #tpu.memory_space<vmem>>, vector<16xf32>,
      %ge3A_141 = arith.constant 4 : i32
      %ge3A_142 = vector.broadcast %ge3A_141 : i32 to vector<16xi32>
      %ge3A_143 = arith.cmpi sge, %iota3A, %ge3A_142 : vector<16xi32>
      %jit3A_144 = arith.constant 0.000000e+00 : f32
      %broadcast_in_dim3A_145 = vector.broadcast %jit3A_144 : f32 to vector<16xf32>
      %select_n3A_146 = arith.select %ge3A_143, %get3A_138, %broadcast_in_dim3A_145 : vector<16xi1>, vector<16xf32>
      %lt3A_147 = arith.constant 14 : i32
      %lt3A_148 = vector.broadcast %lt3A_147 : i32 to vector<16xi32>
      %lt3A_149 = arith.cmpi slt, %iota3A, %lt3A_148 : vector<16xi32>
      %jit3A_150 = arith.constant 0.000000e+00 : f32
      %broadcast_in_dim3A_151 = vector.broadcast %jit3A_150 : f32 to vector<16xf32>
      %select_n3A_152 = arith.select %lt3A_149, %get3A_140, %broadcast_in_dim3A_151 : vector<16xi1>, vector<16xf32>
      %add3A_153 = arith.addf %select_n3A_146, %select_n3A_152 : vector<16xf32>
      %eq3A_154 = arith.constant 2 : i32
      %eq3A_155 = vector.broadcast %eq3A_154 : i32 to vector<16xi32>
      %eq3A_156 = arith.cmpi eq, %iota3A, %eq3A_155 : vector<16xi32>
      %reduce_sum3A_157 = arith.constant true
      %reduce_sum3A_158 = vector.broadcast %reduce_sum3A_157 : i1 to vector<16xi1>
      %reduce_sum3A_159 = tpu.scan <sum>, %add3A_153 masked %reduce_sum3A_158 : vector<16xf32>, vector<16xi1> -> vector<16xf32>
      %reduce_sum3A_160 = vector.extract %reduce_sum3A_159[15] : f32 from vector<16xf32>
      %broadcast_in_dim3A_161 = vector.broadcast %reduce_sum3A_160 : f32 to vector<16xf32>
      %select_n3A_162 = arith.select %eq3A_156, %broadcast_in_dim3A_161, %select_n3A_136 : vector<16xi1>, vector<16xf32>
      %get3A_163 = arith.constant 72 : index
      %get3A_164 = tpu.vector_load %arg12[%get3A_163] {strides = array<i32>} : memref<104xf32, #tpu.memory_space<vmem>>, vector<16xf32>,
      %get3A_165 = arith.constant 88 : index
      %get3A_166 = tpu.vector_load %arg12[%get3A_165] {strides = array<i32>} : memref<104xf32, #tpu.memory_space<vmem>>, vector<16xf32>,
      %ge3A_167 = arith.constant 6 : i32
      %ge3A_168 = vector.broadcast %ge3A_167 : i32 to vector<16xi32>
      %ge3A_169 = arith.cmpi sge, %iota3A, %ge3A_168 : vector<16xi32>
      %jit3A_170 = arith.constant 0.000000e+00 : f32
      %broadcast_in_dim3A_171 = vector.broadcast %jit3A_170 : f32 to vector<16xf32>
      %select_n3A_172 = arith.select %ge3A_169, %get3A_164, %broadcast_in_dim3A_171 : vector<16xi1>, vector<16xf32>
      %add3A_173 = arith.addf %select_n3A_172, %get3A_166 : vector<16xf32>
      %eq3A_174 = arith.constant 3 : i32
      %eq3A_175 = vector.broadcast %eq3A_174 : i32 to vector<16xi32>
      %eq3A_176 = arith.cmpi eq, %iota3A, %eq3A_175 : vector<16xi32>
      %reduce_sum3A_177 = arith.constant true
      %reduce_sum3A_178 = vector.broadcast %reduce_sum3A_177 : i1 to vector<16xi1>
      %reduce_sum3A_179 = tpu.scan <sum>, %add3A_173 masked %reduce_sum3A_178 : vector<16xf32>, vector<16xi1> -> vector<16xf32>
      %reduce_sum3A_180 = vector.extract %reduce_sum3A_179[15] : f32 from vector<16xf32>
      %broadcast_in_dim3A_181 = vector.broadcast %reduce_sum3A_180 : f32 to vector<16xf32>
      %select_n3A_182 = arith.select %eq3A_176, %broadcast_in_dim3A_181, %select_n3A_162 : vector<16xi1>, vector<16xf32>
      %add3A_183 = arith.constant 8 : i32
      %add3A_184 = arith.addi %add3A_92, %add3A_183 : i32
      %lt3A_185 = arith.constant 128 : i32
      %lt3A_186 = arith.cmpi slt, %add3A_184, %lt3A_185 : i32
      %convert_element_type3A = arith.extui %lt3A_186 : i1 to i32
      %cond3A = arith.constant 0 : i32
      %cond3A_187 = arith.cmpi ne, %convert_element_type3A, %cond3A : i32
      scf.if %cond3A_187 {
        %add3A_948 = arith.constant 8 : i32
        %add3A_949 = arith.addi %add3A_92, %add3A_948 : i32
        %mul3A_950 = arith.constant 104 : i32
        %mul3A_951 = arith.muli %add3A_949, %mul3A_950 : i32
        %dma_start3A_952 = tpu.memref_slice %arg8[%mul3A_951] : memref<13312xi32, #tpu.memory_space<vmem>> -> memref<104xi32, #tpu.memory_space<vmem>>
        %dma_start3A_953 = arith.constant 0 : i32
        %dma_start3A_954 = tpu.memref_slice %arg7[%dma_start3A_953] : memref<1000448xf32, #tpu.memory_space<vmem_shared>> -> memref<1000448xf32, #tpu.memory_space<vmem_shared>>
        tpu.enqueue_indirect_dma source(%dma_start3A_954 : memref<1000448xf32, #tpu.memory_space<vmem_shared>>) target(%arg12 : memref<104xf32, #tpu.memory_space<vmem>>) offsets(%dma_start3A_952 : memref<104xi32, #tpu.memory_space<vmem>>) semaphore(%arg20 : memref<!tpu.dma_semaphore, #tpu.memory_space<semaphore_mem>>)
      } else {
      }
      %mul3A_188 = arith.constant 8 : i32
      %mul3A_189 = arith.muli %scan3A_85, %mul3A_188 : i32
      %add3A_190 = arith.constant 1 : i32
      %add3A_191 = arith.addi %mul3A_189, %add3A_190 : i32
      %dma_wait3A_192 = arith.constant 0 : i32
      %dma_wait3A_193 = tpu.memref_slice %arg8[%dma_wait3A_192] : memref<13312xi32, #tpu.memory_space<vmem>> -> memref<104xi32, #tpu.memory_space<vmem>>
      %dma_wait3A_194 = arith.constant 0 : i32
      %dma_wait3A_195 = tpu.memref_slice %arg7[%dma_wait3A_194] : memref<1000448xf32, #tpu.memory_space<vmem_shared>> -> memref<1000448xf32, #tpu.memory_space<vmem_shared>>
      tpu.wait_indirect_dma semaphore(%arg21 : memref<!tpu.dma_semaphore, #tpu.memory_space<semaphore_mem>>) src(%dma_wait3A_195 : memref<1000448xf32, #tpu.memory_space<vmem_shared>>) dst(%arg13 : memref<104xf32, #tpu.memory_space<vmem>>)
      %get3A_196 = arith.constant 0 : index
      %get3A_197 = tpu.vector_load %arg13[%get3A_196] {strides = array<i32>} : memref<104xf32, #tpu.memory_space<vmem>>, vector<16xf32>,
      %get3A_198 = arith.constant 16 : index
      %get3A_199 = tpu.vector_load %arg13[%get3A_198] {strides = array<i32>} : memref<104xf32, #tpu.memory_space<vmem>>, vector<16xf32>,
      %lt3A_200 = arith.constant 10 : i32
      %lt3A_201 = vector.broadcast %lt3A_200 : i32 to vector<16xi32>
      %lt3A_202 = arith.cmpi slt, %iota3A, %lt3A_201 : vector<16xi32>
      %jit3A_203 = arith.constant 0.000000e+00 : f32
      %broadcast_in_dim3A_204 = vector.broadcast %jit3A_203 : f32 to vector<16xf32>
      %select_n3A_205 = arith.select %lt3A_202, %get3A_199, %broadcast_in_dim3A_204 : vector<16xi1>, vector<16xf32>
      %add3A_206 = arith.addf %get3A_197, %select_n3A_205 : vector<16xf32>
      %eq3A_207 = arith.constant 4 : i32
      %eq3A_208 = vector.broadcast %eq3A_207 : i32 to vector<16xi32>
      %eq3A_209 = arith.cmpi eq, %iota3A, %eq3A_208 : vector<16xi32>
      %reduce_sum3A_210 = arith.constant true
      %reduce_sum3A_211 = vector.broadcast %reduce_sum3A_210 : i1 to vector<16xi1>
      %reduce_sum3A_212 = tpu.scan <sum>, %add3A_206 masked %reduce_sum3A_211 : vector<16xf32>, vector<16xi1> -> vector<16xf32>
      %reduce_sum3A_213 = vector.extract %reduce_sum3A_212[15] : f32 from vector<16xf32>
      %broadcast_in_dim3A_214 = vector.broadcast %reduce_sum3A_213 : f32 to vector<16xf32>
      %select_n3A_215 = arith.select %eq3A_209, %broadcast_in_dim3A_214, %select_n3A_182 : vector<16xi1>, vector<16xf32>
      %get3A_216 = arith.constant 24 : index
      %get3A_217 = tpu.vector_load %arg13[%get3A_216] {strides = array<i32>} : memref<104xf32, #tpu.memory_space<vmem>>, vector<16xf32>,
      %get3A_218 = arith.constant 40 : index
      %get3A_219 = tpu.vector_load %arg13[%get3A_218] {strides = array<i32>} : memref<104xf32, #tpu.memory_space<vmem>>, vector<16xf32>,
      %ge3A_220 = arith.constant 2 : i32
      %ge3A_221 = vector.broadcast %ge3A_220 : i32 to vector<16xi32>
      %ge3A_222 = arith.cmpi sge, %iota3A, %ge3A_221 : vector<16xi32>
      %jit3A_223 = arith.constant 0.000000e+00 : f32
      %broadcast_in_dim3A_224 = vector.broadcast %jit3A_223 : f32 to vector<16xf32>
      %select_n3A_225 = arith.select %ge3A_222, %get3A_217, %broadcast_in_dim3A_224 : vector<16xi1>, vector<16xf32>
      %lt3A_226 = arith.constant 12 : i32
      %lt3A_227 = vector.broadcast %lt3A_226 : i32 to vector<16xi32>
      %lt3A_228 = arith.cmpi slt, %iota3A, %lt3A_227 : vector<16xi32>
      %jit3A_229 = arith.constant 0.000000e+00 : f32
      %broadcast_in_dim3A_230 = vector.broadcast %jit3A_229 : f32 to vector<16xf32>
      %select_n3A_231 = arith.select %lt3A_228, %get3A_219, %broadcast_in_dim3A_230 : vector<16xi1>, vector<16xf32>
      %add3A_232 = arith.addf %select_n3A_225, %select_n3A_231 : vector<16xf32>
      %eq3A_233 = arith.constant 5 : i32
      %eq3A_234 = vector.broadcast %eq3A_233 : i32 to vector<16xi32>
      %eq3A_235 = arith.cmpi eq, %iota3A, %eq3A_234 : vector<16xi32>
      %reduce_sum3A_236 = arith.constant true
      %reduce_sum3A_237 = vector.broadcast %reduce_sum3A_236 : i1 to vector<16xi1>
      %reduce_sum3A_238 = tpu.scan <sum>, %add3A_232 masked %reduce_sum3A_237 : vector<16xf32>, vector<16xi1> -> vector<16xf32>
      %reduce_sum3A_239 = vector.extract %reduce_sum3A_238[15] : f32 from vector<16xf32>
      %broadcast_in_dim3A_240 = vector.broadcast %reduce_sum3A_239 : f32 to vector<16xf32>
      %select_n3A_241 = arith.select %eq3A_235, %broadcast_in_dim3A_240, %select_n3A_215 : vector<16xi1>, vector<16xf32>
      %get3A_242 = arith.constant 48 : index
      %get3A_243 = tpu.vector_load %arg13[%get3A_242] {strides = array<i32>} : memref<104xf32, #tpu.memory_space<vmem>>, vector<16xf32>,
      %get3A_244 = arith.constant 64 : index
      %get3A_245 = tpu.vector_load %arg13[%get3A_244] {strides = array<i32>} : memref<104xf32, #tpu.memory_space<vmem>>, vector<16xf32>,
      %ge3A_246 = arith.constant 4 : i32
      %ge3A_247 = vector.broadcast %ge3A_246 : i32 to vector<16xi32>
      %ge3A_248 = arith.cmpi sge, %iota3A, %ge3A_247 : vector<16xi32>
      %jit3A_249 = arith.constant 0.000000e+00 : f32
      %broadcast_in_dim3A_250 = vector.broadcast %jit3A_249 : f32 to vector<16xf32>
      %select_n3A_251 = arith.select %ge3A_248, %get3A_243, %broadcast_in_dim3A_250 : vector<16xi1>, vector<16xf32>
      %lt3A_252 = arith.constant 14 : i32
      %lt3A_253 = vector.broadcast %lt3A_252 : i32 to vector<16xi32>
      %lt3A_254 = arith.cmpi slt, %iota3A, %lt3A_253 : vector<16xi32>
      %jit3A_255 = arith.constant 0.000000e+00 : f32
      %broadcast_in_dim3A_256 = vector.broadcast %jit3A_255 : f32 to vector<16xf32>
      %select_n3A_257 = arith.select %lt3A_254, %get3A_245, %broadcast_in_dim3A_256 : vector<16xi1>, vector<16xf32>
      %add3A_258 = arith.addf %select_n3A_251, %select_n3A_257 : vector<16xf32>
      %eq3A_259 = arith.constant 6 : i32
      %eq3A_260 = vector.broadcast %eq3A_259 : i32 to vector<16xi32>
      %eq3A_261 = arith.cmpi eq, %iota3A, %eq3A_260 : vector<16xi32>
      %reduce_sum3A_262 = arith.constant true
      %reduce_sum3A_263 = vector.broadcast %reduce_sum3A_262 : i1 to vector<16xi1>
      %reduce_sum3A_264 = tpu.scan <sum>, %add3A_258 masked %reduce_sum3A_263 : vector<16xf32>, vector<16xi1> -> vector<16xf32>
      %reduce_sum3A_265 = vector.extract %reduce_sum3A_264[15] : f32 from vector<16xf32>
      %broadcast_in_dim3A_266 = vector.broadcast %reduce_sum3A_265 : f32 to vector<16xf32>
      %select_n3A_267 = arith.select %eq3A_261, %broadcast_in_dim3A_266, %select_n3A_241 : vector<16xi1>, vector<16xf32>
      %get3A_268 = arith.constant 72 : index
      %get3A_269 = tpu.vector_load %arg13[%get3A_268] {strides = array<i32>} : memref<104xf32, #tpu.memory_space<vmem>>, vector<16xf32>,
      %get3A_270 = arith.constant 88 : index
      %get3A_271 = tpu.vector_load %arg13[%get3A_270] {strides = array<i32>} : memref<104xf32, #tpu.memory_space<vmem>>, vector<16xf32>,
      %ge3A_272 = arith.constant 6 : i32
      %ge3A_273 = vector.broadcast %ge3A_272 : i32 to vector<16xi32>
      %ge3A_274 = arith.cmpi sge, %iota3A, %ge3A_273 : vector<16xi32>
      %jit3A_275 = arith.constant 0.000000e+00 : f32
      %broadcast_in_dim3A_276 = vector.broadcast %jit3A_275 : f32 to vector<16xf32>
      %select_n3A_277 = arith.select %ge3A_274, %get3A_269, %broadcast_in_dim3A_276 : vector<16xi1>, vector<16xf32>
      %add3A_278 = arith.addf %select_n3A_277, %get3A_271 : vector<16xf32>
      %eq3A_279 = arith.constant 7 : i32
      %eq3A_280 = vector.broadcast %eq3A_279 : i32 to vector<16xi32>
      %eq3A_281 = arith.cmpi eq, %iota3A, %eq3A_280 : vector<16xi32>
      %reduce_sum3A_282 = arith.constant true
      %reduce_sum3A_283 = vector.broadcast %reduce_sum3A_282 : i1 to vector<16xi1>
      %reduce_sum3A_284 = tpu.scan <sum>, %add3A_278 masked %reduce_sum3A_283 : vector<16xf32>, vector<16xi1> -> vector<16xf32>
      %reduce_sum3A_285 = vector.extract %reduce_sum3A_284[15] : f32 from vector<16xf32>
      %broadcast_in_dim3A_286 = vector.broadcast %reduce_sum3A_285 : f32 to vector<16xf32>
      %select_n3A_287 = arith.select %eq3A_281, %broadcast_in_dim3A_286, %select_n3A_267 : vector<16xi1>, vector<16xf32>
      %add3A_288 = arith.constant 8 : i32
      %add3A_289 = arith.addi %add3A_191, %add3A_288 : i32
      %lt3A_290 = arith.constant 128 : i32
      %lt3A_291 = arith.cmpi slt, %add3A_289, %lt3A_290 : i32
      %convert_element_type3A_292 = arith.extui %lt3A_291 : i1 to i32
      %cond3A_293 = arith.constant 0 : i32
      %cond3A_294 = arith.cmpi ne, %convert_element_type3A_292, %cond3A_293 : i32
      scf.if %cond3A_294 {
        %add3A_948 = arith.constant 8 : i32
        %add3A_949 = arith.addi %add3A_191, %add3A_948 : i32
        %mul3A_950 = arith.constant 104 : i32
        %mul3A_951 = arith.muli %add3A_949, %mul3A_950 : i32
        %dma_start3A_952 = tpu.memref_slice %arg8[%mul3A_951] : memref<13312xi32, #tpu.memory_space<vmem>> -> memref<104xi32, #tpu.memory_space<vmem>>
        %dma_start3A_953 = arith.constant 0 : i32
        %dma_start3A_954 = tpu.memref_slice %arg7[%dma_start3A_953] : memref<1000448xf32, #tpu.memory_space<vmem_shared>> -> memref<1000448xf32, #tpu.memory_space<vmem_shared>>
        tpu.enqueue_indirect_dma source(%dma_start3A_954 : memref<1000448xf32, #tpu.memory_space<vmem_shared>>) target(%arg13 : memref<104xf32, #tpu.memory_space<vmem>>) offsets(%dma_start3A_952 : memref<104xi32, #tpu.memory_space<vmem>>) semaphore(%arg21 : memref<!tpu.dma_semaphore, #tpu.memory_space<semaphore_mem>>)
      } else {
      }
      %mul3A_295 = arith.constant 8 : i32
      %mul3A_296 = arith.muli %scan3A_85, %mul3A_295 : i32
      %add3A_297 = arith.constant 2 : i32
      %add3A_298 = arith.addi %mul3A_296, %add3A_297 : i32
      %dma_wait3A_299 = arith.constant 0 : i32
      %dma_wait3A_300 = tpu.memref_slice %arg8[%dma_wait3A_299] : memref<13312xi32, #tpu.memory_space<vmem>> -> memref<104xi32, #tpu.memory_space<vmem>>
      %dma_wait3A_301 = arith.constant 0 : i32
      %dma_wait3A_302 = tpu.memref_slice %arg7[%dma_wait3A_301] : memref<1000448xf32, #tpu.memory_space<vmem_shared>> -> memref<1000448xf32, #tpu.memory_space<vmem_shared>>
      tpu.wait_indirect_dma semaphore(%arg22 : memref<!tpu.dma_semaphore, #tpu.memory_space<semaphore_mem>>) src(%dma_wait3A_302 : memref<1000448xf32, #tpu.memory_space<vmem_shared>>) dst(%arg14 : memref<104xf32, #tpu.memory_space<vmem>>)
      %get3A_303 = arith.constant 0 : index
      %get3A_304 = tpu.vector_load %arg14[%get3A_303] {strides = array<i32>} : memref<104xf32, #tpu.memory_space<vmem>>, vector<16xf32>,
      %get3A_305 = arith.constant 16 : index
      %get3A_306 = tpu.vector_load %arg14[%get3A_305] {strides = array<i32>} : memref<104xf32, #tpu.memory_space<vmem>>, vector<16xf32>,
      %lt3A_307 = arith.constant 10 : i32
      %lt3A_308 = vector.broadcast %lt3A_307 : i32 to vector<16xi32>
      %lt3A_309 = arith.cmpi slt, %iota3A, %lt3A_308 : vector<16xi32>
      %jit3A_310 = arith.constant 0.000000e+00 : f32
      %broadcast_in_dim3A_311 = vector.broadcast %jit3A_310 : f32 to vector<16xf32>
      %select_n3A_312 = arith.select %lt3A_309, %get3A_306, %broadcast_in_dim3A_311 : vector<16xi1>, vector<16xf32>
      %add3A_313 = arith.addf %get3A_304, %select_n3A_312 : vector<16xf32>
      %eq3A_314 = arith.constant 8 : i32
      %eq3A_315 = vector.broadcast %eq3A_314 : i32 to vector<16xi32>
      %eq3A_316 = arith.cmpi eq, %iota3A, %eq3A_315 : vector<16xi32>
      %reduce_sum3A_317 = arith.constant true
      %reduce_sum3A_318 = vector.broadcast %reduce_sum3A_317 : i1 to vector<16xi1>
      %reduce_sum3A_319 = tpu.scan <sum>, %add3A_313 masked %reduce_sum3A_318 : vector<16xf32>, vector<16xi1> -> vector<16xf32>
      %reduce_sum3A_320 = vector.extract %reduce_sum3A_319[15] : f32 from vector<16xf32>
      %broadcast_in_dim3A_321 = vector.broadcast %reduce_sum3A_320 : f32 to vector<16xf32>
      %select_n3A_322 = arith.select %eq3A_316, %broadcast_in_dim3A_321, %select_n3A_287 : vector<16xi1>, vector<16xf32>
      %get3A_323 = arith.constant 24 : index
      %get3A_324 = tpu.vector_load %arg14[%get3A_323] {strides = array<i32>} : memref<104xf32, #tpu.memory_space<vmem>>, vector<16xf32>,
      %get3A_325 = arith.constant 40 : index
      %get3A_326 = tpu.vector_load %arg14[%get3A_325] {strides = array<i32>} : memref<104xf32, #tpu.memory_space<vmem>>, vector<16xf32>,
      %ge3A_327 = arith.constant 2 : i32
      %ge3A_328 = vector.broadcast %ge3A_327 : i32 to vector<16xi32>
      %ge3A_329 = arith.cmpi sge, %iota3A, %ge3A_328 : vector<16xi32>
      %jit3A_330 = arith.constant 0.000000e+00 : f32
      %broadcast_in_dim3A_331 = vector.broadcast %jit3A_330 : f32 to vector<16xf32>
      %select_n3A_332 = arith.select %ge3A_329, %get3A_324, %broadcast_in_dim3A_331 : vector<16xi1>, vector<16xf32>
      %lt3A_333 = arith.constant 12 : i32
      %lt3A_334 = vector.broadcast %lt3A_333 : i32 to vector<16xi32>
      %lt3A_335 = arith.cmpi slt, %iota3A, %lt3A_334 : vector<16xi32>
      %jit3A_336 = arith.constant 0.000000e+00 : f32
      %broadcast_in_dim3A_337 = vector.broadcast %jit3A_336 : f32 to vector<16xf32>
      %select_n3A_338 = arith.select %lt3A_335, %get3A_326, %broadcast_in_dim3A_337 : vector<16xi1>, vector<16xf32>
      %add3A_339 = arith.addf %select_n3A_332, %select_n3A_338 : vector<16xf32>
      %eq3A_340 = arith.constant 9 : i32
      %eq3A_341 = vector.broadcast %eq3A_340 : i32 to vector<16xi32>
      %eq3A_342 = arith.cmpi eq, %iota3A, %eq3A_341 : vector<16xi32>
      %reduce_sum3A_343 = arith.constant true
      %reduce_sum3A_344 = vector.broadcast %reduce_sum3A_343 : i1 to vector<16xi1>
      %reduce_sum3A_345 = tpu.scan <sum>, %add3A_339 masked %reduce_sum3A_344 : vector<16xf32>, vector<16xi1> -> vector<16xf32>
      %reduce_sum3A_346 = vector.extract %reduce_sum3A_345[15] : f32 from vector<16xf32>
      %broadcast_in_dim3A_347 = vector.broadcast %reduce_sum3A_346 : f32 to vector<16xf32>
      %select_n3A_348 = arith.select %eq3A_342, %broadcast_in_dim3A_347, %select_n3A_322 : vector<16xi1>, vector<16xf32>
      %get3A_349 = arith.constant 48 : index
      %get3A_350 = tpu.vector_load %arg14[%get3A_349] {strides = array<i32>} : memref<104xf32, #tpu.memory_space<vmem>>, vector<16xf32>,
      %get3A_351 = arith.constant 64 : index
      %get3A_352 = tpu.vector_load %arg14[%get3A_351] {strides = array<i32>} : memref<104xf32, #tpu.memory_space<vmem>>, vector<16xf32>,
      %ge3A_353 = arith.constant 4 : i32
      %ge3A_354 = vector.broadcast %ge3A_353 : i32 to vector<16xi32>
      %ge3A_355 = arith.cmpi sge, %iota3A, %ge3A_354 : vector<16xi32>
      %jit3A_356 = arith.constant 0.000000e+00 : f32
      %broadcast_in_dim3A_357 = vector.broadcast %jit3A_356 : f32 to vector<16xf32>
      %select_n3A_358 = arith.select %ge3A_355, %get3A_350, %broadcast_in_dim3A_357 : vector<16xi1>, vector<16xf32>
      %lt3A_359 = arith.constant 14 : i32
      %lt3A_360 = vector.broadcast %lt3A_359 : i32 to vector<16xi32>
      %lt3A_361 = arith.cmpi slt, %iota3A, %lt3A_360 : vector<16xi32>
      %jit3A_362 = arith.constant 0.000000e+00 : f32
      %broadcast_in_dim3A_363 = vector.broadcast %jit3A_362 : f32 to vector<16xf32>
      %select_n3A_364 = arith.select %lt3A_361, %get3A_352, %broadcast_in_dim3A_363 : vector<16xi1>, vector<16xf32>
      %add3A_365 = arith.addf %select_n3A_358, %select_n3A_364 : vector<16xf32>
      %eq3A_366 = arith.constant 10 : i32
      %eq3A_367 = vector.broadcast %eq3A_366 : i32 to vector<16xi32>
      %eq3A_368 = arith.cmpi eq, %iota3A, %eq3A_367 : vector<16xi32>
      %reduce_sum3A_369 = arith.constant true
      %reduce_sum3A_370 = vector.broadcast %reduce_sum3A_369 : i1 to vector<16xi1>
      %reduce_sum3A_371 = tpu.scan <sum>, %add3A_365 masked %reduce_sum3A_370 : vector<16xf32>, vector<16xi1> -> vector<16xf32>
      %reduce_sum3A_372 = vector.extract %reduce_sum3A_371[15] : f32 from vector<16xf32>
      %broadcast_in_dim3A_373 = vector.broadcast %reduce_sum3A_372 : f32 to vector<16xf32>
      %select_n3A_374 = arith.select %eq3A_368, %broadcast_in_dim3A_373, %select_n3A_348 : vector<16xi1>, vector<16xf32>
      %get3A_375 = arith.constant 72 : index
      %get3A_376 = tpu.vector_load %arg14[%get3A_375] {strides = array<i32>} : memref<104xf32, #tpu.memory_space<vmem>>, vector<16xf32>,
      %get3A_377 = arith.constant 88 : index
      %get3A_378 = tpu.vector_load %arg14[%get3A_377] {strides = array<i32>} : memref<104xf32, #tpu.memory_space<vmem>>, vector<16xf32>,
      %ge3A_379 = arith.constant 6 : i32
      %ge3A_380 = vector.broadcast %ge3A_379 : i32 to vector<16xi32>
      %ge3A_381 = arith.cmpi sge, %iota3A, %ge3A_380 : vector<16xi32>
      %jit3A_382 = arith.constant 0.000000e+00 : f32
      %broadcast_in_dim3A_383 = vector.broadcast %jit3A_382 : f32 to vector<16xf32>
      %select_n3A_384 = arith.select %ge3A_381, %get3A_376, %broadcast_in_dim3A_383 : vector<16xi1>, vector<16xf32>
      %add3A_385 = arith.addf %select_n3A_384, %get3A_378 : vector<16xf32>
      %eq3A_386 = arith.constant 11 : i32
      %eq3A_387 = vector.broadcast %eq3A_386 : i32 to vector<16xi32>
      %eq3A_388 = arith.cmpi eq, %iota3A, %eq3A_387 : vector<16xi32>
      %reduce_sum3A_389 = arith.constant true
      %reduce_sum3A_390 = vector.broadcast %reduce_sum3A_389 : i1 to vector<16xi1>
      %reduce_sum3A_391 = tpu.scan <sum>, %add3A_385 masked %reduce_sum3A_390 : vector<16xf32>, vector<16xi1> -> vector<16xf32>
      %reduce_sum3A_392 = vector.extract %reduce_sum3A_391[15] : f32 from vector<16xf32>
      %broadcast_in_dim3A_393 = vector.broadcast %reduce_sum3A_392 : f32 to vector<16xf32>
      %select_n3A_394 = arith.select %eq3A_388, %broadcast_in_dim3A_393, %select_n3A_374 : vector<16xi1>, vector<16xf32>
      %add3A_395 = arith.constant 8 : i32
      %add3A_396 = arith.addi %add3A_298, %add3A_395 : i32
      %lt3A_397 = arith.constant 128 : i32
      %lt3A_398 = arith.cmpi slt, %add3A_396, %lt3A_397 : i32
      %convert_element_type3A_399 = arith.extui %lt3A_398 : i1 to i32
      %cond3A_400 = arith.constant 0 : i32
      %cond3A_401 = arith.cmpi ne, %convert_element_type3A_399, %cond3A_400 : i32
      scf.if %cond3A_401 {
        %add3A_948 = arith.constant 8 : i32
        %add3A_949 = arith.addi %add3A_298, %add3A_948 : i32
        %mul3A_950 = arith.constant 104 : i32
        %mul3A_951 = arith.muli %add3A_949, %mul3A_950 : i32
        %dma_start3A_952 = tpu.memref_slice %arg8[%mul3A_951] : memref<13312xi32, #tpu.memory_space<vmem>> -> memref<104xi32, #tpu.memory_space<vmem>>
        %dma_start3A_953 = arith.constant 0 : i32
        %dma_start3A_954 = tpu.memref_slice %arg7[%dma_start3A_953] : memref<1000448xf32, #tpu.memory_space<vmem_shared>> -> memref<1000448xf32, #tpu.memory_space<vmem_shared>>
        tpu.enqueue_indirect_dma source(%dma_start3A_954 : memref<1000448xf32, #tpu.memory_space<vmem_shared>>) target(%arg14 : memref<104xf32, #tpu.memory_space<vmem>>) offsets(%dma_start3A_952 : memref<104xi32, #tpu.memory_space<vmem>>) semaphore(%arg22 : memref<!tpu.dma_semaphore, #tpu.memory_space<semaphore_mem>>)
      } else {
      }
      %mul3A_402 = arith.constant 8 : i32
      %mul3A_403 = arith.muli %scan3A_85, %mul3A_402 : i32
      %add3A_404 = arith.constant 3 : i32
      %add3A_405 = arith.addi %mul3A_403, %add3A_404 : i32
      %dma_wait3A_406 = arith.constant 0 : i32
      %dma_wait3A_407 = tpu.memref_slice %arg8[%dma_wait3A_406] : memref<13312xi32, #tpu.memory_space<vmem>> -> memref<104xi32, #tpu.memory_space<vmem>>
      %dma_wait3A_408 = arith.constant 0 : i32
      %dma_wait3A_409 = tpu.memref_slice %arg7[%dma_wait3A_408] : memref<1000448xf32, #tpu.memory_space<vmem_shared>> -> memref<1000448xf32, #tpu.memory_space<vmem_shared>>
      tpu.wait_indirect_dma semaphore(%arg23 : memref<!tpu.dma_semaphore, #tpu.memory_space<semaphore_mem>>) src(%dma_wait3A_409 : memref<1000448xf32, #tpu.memory_space<vmem_shared>>) dst(%arg15 : memref<104xf32, #tpu.memory_space<vmem>>)
      %get3A_410 = arith.constant 0 : index
      %get3A_411 = tpu.vector_load %arg15[%get3A_410] {strides = array<i32>} : memref<104xf32, #tpu.memory_space<vmem>>, vector<16xf32>,
      %get3A_412 = arith.constant 16 : index
      %get3A_413 = tpu.vector_load %arg15[%get3A_412] {strides = array<i32>} : memref<104xf32, #tpu.memory_space<vmem>>, vector<16xf32>,
      %lt3A_414 = arith.constant 10 : i32
      %lt3A_415 = vector.broadcast %lt3A_414 : i32 to vector<16xi32>
      %lt3A_416 = arith.cmpi slt, %iota3A, %lt3A_415 : vector<16xi32>
      %jit3A_417 = arith.constant 0.000000e+00 : f32
      %broadcast_in_dim3A_418 = vector.broadcast %jit3A_417 : f32 to vector<16xf32>
      %select_n3A_419 = arith.select %lt3A_416, %get3A_413, %broadcast_in_dim3A_418 : vector<16xi1>, vector<16xf32>
      %add3A_420 = arith.addf %get3A_411, %select_n3A_419 : vector<16xf32>
      %eq3A_421 = arith.constant 12 : i32
      %eq3A_422 = vector.broadcast %eq3A_421 : i32 to vector<16xi32>
      %eq3A_423 = arith.cmpi eq, %iota3A, %eq3A_422 : vector<16xi32>
      %reduce_sum3A_424 = arith.constant true
      %reduce_sum3A_425 = vector.broadcast %reduce_sum3A_424 : i1 to vector<16xi1>
      %reduce_sum3A_426 = tpu.scan <sum>, %add3A_420 masked %reduce_sum3A_425 : vector<16xf32>, vector<16xi1> -> vector<16xf32>
      %reduce_sum3A_427 = vector.extract %reduce_sum3A_426[15] : f32 from vector<16xf32>
      %broadcast_in_dim3A_428 = vector.broadcast %reduce_sum3A_427 : f32 to vector<16xf32>
      %select_n3A_429 = arith.select %eq3A_423, %broadcast_in_dim3A_428, %select_n3A_394 : vector<16xi1>, vector<16xf32>
      %get3A_430 = arith.constant 24 : index
      %get3A_431 = tpu.vector_load %arg15[%get3A_430] {strides = array<i32>} : memref<104xf32, #tpu.memory_space<vmem>>, vector<16xf32>,
      %get3A_432 = arith.constant 40 : index
      %get3A_433 = tpu.vector_load %arg15[%get3A_432] {strides = array<i32>} : memref<104xf32, #tpu.memory_space<vmem>>, vector<16xf32>,
      %ge3A_434 = arith.constant 2 : i32
      %ge3A_435 = vector.broadcast %ge3A_434 : i32 to vector<16xi32>
      %ge3A_436 = arith.cmpi sge, %iota3A, %ge3A_435 : vector<16xi32>
      %jit3A_437 = arith.constant 0.000000e+00 : f32
      %broadcast_in_dim3A_438 = vector.broadcast %jit3A_437 : f32 to vector<16xf32>
      %select_n3A_439 = arith.select %ge3A_436, %get3A_431, %broadcast_in_dim3A_438 : vector<16xi1>, vector<16xf32>
      %lt3A_440 = arith.constant 12 : i32
      %lt3A_441 = vector.broadcast %lt3A_440 : i32 to vector<16xi32>
      %lt3A_442 = arith.cmpi slt, %iota3A, %lt3A_441 : vector<16xi32>
      %jit3A_443 = arith.constant 0.000000e+00 : f32
      %broadcast_in_dim3A_444 = vector.broadcast %jit3A_443 : f32 to vector<16xf32>
      %select_n3A_445 = arith.select %lt3A_442, %get3A_433, %broadcast_in_dim3A_444 : vector<16xi1>, vector<16xf32>
      %add3A_446 = arith.addf %select_n3A_439, %select_n3A_445 : vector<16xf32>
      %eq3A_447 = arith.constant 13 : i32
      %eq3A_448 = vector.broadcast %eq3A_447 : i32 to vector<16xi32>
      %eq3A_449 = arith.cmpi eq, %iota3A, %eq3A_448 : vector<16xi32>
      %reduce_sum3A_450 = arith.constant true
      %reduce_sum3A_451 = vector.broadcast %reduce_sum3A_450 : i1 to vector<16xi1>
      %reduce_sum3A_452 = tpu.scan <sum>, %add3A_446 masked %reduce_sum3A_451 : vector<16xf32>, vector<16xi1> -> vector<16xf32>
      %reduce_sum3A_453 = vector.extract %reduce_sum3A_452[15] : f32 from vector<16xf32>
      %broadcast_in_dim3A_454 = vector.broadcast %reduce_sum3A_453 : f32 to vector<16xf32>
      %select_n3A_455 = arith.select %eq3A_449, %broadcast_in_dim3A_454, %select_n3A_429 : vector<16xi1>, vector<16xf32>
      %get3A_456 = arith.constant 48 : index
      %get3A_457 = tpu.vector_load %arg15[%get3A_456] {strides = array<i32>} : memref<104xf32, #tpu.memory_space<vmem>>, vector<16xf32>,
      %get3A_458 = arith.constant 64 : index
      %get3A_459 = tpu.vector_load %arg15[%get3A_458] {strides = array<i32>} : memref<104xf32, #tpu.memory_space<vmem>>, vector<16xf32>,
      %ge3A_460 = arith.constant 4 : i32
      %ge3A_461 = vector.broadcast %ge3A_460 : i32 to vector<16xi32>
      %ge3A_462 = arith.cmpi sge, %iota3A, %ge3A_461 : vector<16xi32>
      %jit3A_463 = arith.constant 0.000000e+00 : f32
      %broadcast_in_dim3A_464 = vector.broadcast %jit3A_463 : f32 to vector<16xf32>
      %select_n3A_465 = arith.select %ge3A_462, %get3A_457, %broadcast_in_dim3A_464 : vector<16xi1>, vector<16xf32>
      %lt3A_466 = arith.constant 14 : i32
      %lt3A_467 = vector.broadcast %lt3A_466 : i32 to vector<16xi32>
      %lt3A_468 = arith.cmpi slt, %iota3A, %lt3A_467 : vector<16xi32>
      %jit3A_469 = arith.constant 0.000000e+00 : f32
      %broadcast_in_dim3A_470 = vector.broadcast %jit3A_469 : f32 to vector<16xf32>
      %select_n3A_471 = arith.select %lt3A_468, %get3A_459, %broadcast_in_dim3A_470 : vector<16xi1>, vector<16xf32>
      %add3A_472 = arith.addf %select_n3A_465, %select_n3A_471 : vector<16xf32>
      %eq3A_473 = arith.constant 14 : i32
      %eq3A_474 = vector.broadcast %eq3A_473 : i32 to vector<16xi32>
      %eq3A_475 = arith.cmpi eq, %iota3A, %eq3A_474 : vector<16xi32>
      %reduce_sum3A_476 = arith.constant true
      %reduce_sum3A_477 = vector.broadcast %reduce_sum3A_476 : i1 to vector<16xi1>
      %reduce_sum3A_478 = tpu.scan <sum>, %add3A_472 masked %reduce_sum3A_477 : vector<16xf32>, vector<16xi1> -> vector<16xf32>
      %reduce_sum3A_479 = vector.extract %reduce_sum3A_478[15] : f32 from vector<16xf32>
      %broadcast_in_dim3A_480 = vector.broadcast %reduce_sum3A_479 : f32 to vector<16xf32>
      %select_n3A_481 = arith.select %eq3A_475, %broadcast_in_dim3A_480, %select_n3A_455 : vector<16xi1>, vector<16xf32>
      %get3A_482 = arith.constant 72 : index
      %get3A_483 = tpu.vector_load %arg15[%get3A_482] {strides = array<i32>} : memref<104xf32, #tpu.memory_space<vmem>>, vector<16xf32>,
      %get3A_484 = arith.constant 88 : index
      %get3A_485 = tpu.vector_load %arg15[%get3A_484] {strides = array<i32>} : memref<104xf32, #tpu.memory_space<vmem>>, vector<16xf32>,
      %ge3A_486 = arith.constant 6 : i32
      %ge3A_487 = vector.broadcast %ge3A_486 : i32 to vector<16xi32>
      %ge3A_488 = arith.cmpi sge, %iota3A, %ge3A_487 : vector<16xi32>
      %jit3A_489 = arith.constant 0.000000e+00 : f32
      %broadcast_in_dim3A_490 = vector.broadcast %jit3A_489 : f32 to vector<16xf32>
      %select_n3A_491 = arith.select %ge3A_488, %get3A_483, %broadcast_in_dim3A_490 : vector<16xi1>, vector<16xf32>
      %add3A_492 = arith.addf %select_n3A_491, %get3A_485 : vector<16xf32>
      %eq3A_493 = arith.constant 15 : i32
      %eq3A_494 = vector.broadcast %eq3A_493 : i32 to vector<16xi32>
      %eq3A_495 = arith.cmpi eq, %iota3A, %eq3A_494 : vector<16xi32>
      %reduce_sum3A_496 = arith.constant true
      %reduce_sum3A_497 = vector.broadcast %reduce_sum3A_496 : i1 to vector<16xi1>
      %reduce_sum3A_498 = tpu.scan <sum>, %add3A_492 masked %reduce_sum3A_497 : vector<16xf32>, vector<16xi1> -> vector<16xf32>
      %reduce_sum3A_499 = vector.extract %reduce_sum3A_498[15] : f32 from vector<16xf32>
      %broadcast_in_dim3A_500 = vector.broadcast %reduce_sum3A_499 : f32 to vector<16xf32>
      %select_n3A_501 = arith.select %eq3A_495, %broadcast_in_dim3A_500, %select_n3A_481 : vector<16xi1>, vector<16xf32>
      %add3A_502 = arith.constant 8 : i32
      %add3A_503 = arith.addi %add3A_405, %add3A_502 : i32
      %lt3A_504 = arith.constant 128 : i32
      %lt3A_505 = arith.cmpi slt, %add3A_503, %lt3A_504 : i32
      %convert_element_type3A_506 = arith.extui %lt3A_505 : i1 to i32
      %cond3A_507 = arith.constant 0 : i32
      %cond3A_508 = arith.cmpi ne, %convert_element_type3A_506, %cond3A_507 : i32
      scf.if %cond3A_508 {
        %add3A_948 = arith.constant 8 : i32
        %add3A_949 = arith.addi %add3A_405, %add3A_948 : i32
        %mul3A_950 = arith.constant 104 : i32
        %mul3A_951 = arith.muli %add3A_949, %mul3A_950 : i32
        %dma_start3A_952 = tpu.memref_slice %arg8[%mul3A_951] : memref<13312xi32, #tpu.memory_space<vmem>> -> memref<104xi32, #tpu.memory_space<vmem>>
        %dma_start3A_953 = arith.constant 0 : i32
        %dma_start3A_954 = tpu.memref_slice %arg7[%dma_start3A_953] : memref<1000448xf32, #tpu.memory_space<vmem_shared>> -> memref<1000448xf32, #tpu.memory_space<vmem_shared>>
        tpu.enqueue_indirect_dma source(%dma_start3A_954 : memref<1000448xf32, #tpu.memory_space<vmem_shared>>) target(%arg15 : memref<104xf32, #tpu.memory_space<vmem>>) offsets(%dma_start3A_952 : memref<104xi32, #tpu.memory_space<vmem>>) semaphore(%arg23 : memref<!tpu.dma_semaphore, #tpu.memory_space<semaphore_mem>>)
      } else {
      }
      %mul3A_509 = arith.constant 8 : i32
      %mul3A_510 = arith.muli %scan3A_85, %mul3A_509 : i32
      %add3A_511 = arith.constant 4 : i32
      %add3A_512 = arith.addi %mul3A_510, %add3A_511 : i32
      %dma_wait3A_513 = arith.constant 0 : i32
      %dma_wait3A_514 = tpu.memref_slice %arg8[%dma_wait3A_513] : memref<13312xi32, #tpu.memory_space<vmem>> -> memref<104xi32, #tpu.memory_space<vmem>>
      %dma_wait3A_515 = arith.constant 0 : i32
      %dma_wait3A_516 = tpu.memref_slice %arg7[%dma_wait3A_515] : memref<1000448xf32, #tpu.memory_space<vmem_shared>> -> memref<1000448xf32, #tpu.memory_space<vmem_shared>>
      tpu.wait_indirect_dma semaphore(%arg24 : memref<!tpu.dma_semaphore, #tpu.memory_space<semaphore_mem>>) src(%dma_wait3A_516 : memref<1000448xf32, #tpu.memory_space<vmem_shared>>) dst(%arg16 : memref<104xf32, #tpu.memory_space<vmem>>)
      %get3A_517 = arith.constant 0 : index
      %get3A_518 = tpu.vector_load %arg16[%get3A_517] {strides = array<i32>} : memref<104xf32, #tpu.memory_space<vmem>>, vector<16xf32>,
      %get3A_519 = arith.constant 16 : index
      %get3A_520 = tpu.vector_load %arg16[%get3A_519] {strides = array<i32>} : memref<104xf32, #tpu.memory_space<vmem>>, vector<16xf32>,
      %lt3A_521 = arith.constant 10 : i32
      %lt3A_522 = vector.broadcast %lt3A_521 : i32 to vector<16xi32>
      %lt3A_523 = arith.cmpi slt, %iota3A, %lt3A_522 : vector<16xi32>
      %jit3A_524 = arith.constant 0.000000e+00 : f32
      %broadcast_in_dim3A_525 = vector.broadcast %jit3A_524 : f32 to vector<16xf32>
      %select_n3A_526 = arith.select %lt3A_523, %get3A_520, %broadcast_in_dim3A_525 : vector<16xi1>, vector<16xf32>
      %add3A_527 = arith.addf %get3A_518, %select_n3A_526 : vector<16xf32>
      %eq3A_528 = arith.constant 0 : i32
      %eq3A_529 = vector.broadcast %eq3A_528 : i32 to vector<16xi32>
      %eq3A_530 = arith.cmpi eq, %iota3A, %eq3A_529 : vector<16xi32>
      %reduce_sum3A_531 = arith.constant true
      %reduce_sum3A_532 = vector.broadcast %reduce_sum3A_531 : i1 to vector<16xi1>
      %reduce_sum3A_533 = tpu.scan <sum>, %add3A_527 masked %reduce_sum3A_532 : vector<16xf32>, vector<16xi1> -> vector<16xf32>
      %reduce_sum3A_534 = vector.extract %reduce_sum3A_533[15] : f32 from vector<16xf32>
      %broadcast_in_dim3A_535 = vector.broadcast %reduce_sum3A_534 : f32 to vector<16xf32>
      %select_n3A_536 = arith.select %eq3A_530, %broadcast_in_dim3A_535, %broadcast_in_dim3A_88 : vector<16xi1>, vector<16xf32>
      %get3A_537 = arith.constant 24 : index
      %get3A_538 = tpu.vector_load %arg16[%get3A_537] {strides = array<i32>} : memref<104xf32, #tpu.memory_space<vmem>>, vector<16xf32>,
      %get3A_539 = arith.constant 40 : index
      %get3A_540 = tpu.vector_load %arg16[%get3A_539] {strides = array<i32>} : memref<104xf32, #tpu.memory_space<vmem>>, vector<16xf32>,
      %ge3A_541 = arith.constant 2 : i32
      %ge3A_542 = vector.broadcast %ge3A_541 : i32 to vector<16xi32>
      %ge3A_543 = arith.cmpi sge, %iota3A, %ge3A_542 : vector<16xi32>
      %jit3A_544 = arith.constant 0.000000e+00 : f32
      %broadcast_in_dim3A_545 = vector.broadcast %jit3A_544 : f32 to vector<16xf32>
      %select_n3A_546 = arith.select %ge3A_543, %get3A_538, %broadcast_in_dim3A_545 : vector<16xi1>, vector<16xf32>
      %lt3A_547 = arith.constant 12 : i32
      %lt3A_548 = vector.broadcast %lt3A_547 : i32 to vector<16xi32>
      %lt3A_549 = arith.cmpi slt, %iota3A, %lt3A_548 : vector<16xi32>
      %jit3A_550 = arith.constant 0.000000e+00 : f32
      %broadcast_in_dim3A_551 = vector.broadcast %jit3A_550 : f32 to vector<16xf32>
      %select_n3A_552 = arith.select %lt3A_549, %get3A_540, %broadcast_in_dim3A_551 : vector<16xi1>, vector<16xf32>
      %add3A_553 = arith.addf %select_n3A_546, %select_n3A_552 : vector<16xf32>
      %eq3A_554 = arith.constant 1 : i32
      %eq3A_555 = vector.broadcast %eq3A_554 : i32 to vector<16xi32>
      %eq3A_556 = arith.cmpi eq, %iota3A, %eq3A_555 : vector<16xi32>
      %reduce_sum3A_557 = arith.constant true
      %reduce_sum3A_558 = vector.broadcast %reduce_sum3A_557 : i1 to vector<16xi1>
      %reduce_sum3A_559 = tpu.scan <sum>, %add3A_553 masked %reduce_sum3A_558 : vector<16xf32>, vector<16xi1> -> vector<16xf32>
      %reduce_sum3A_560 = vector.extract %reduce_sum3A_559[15] : f32 from vector<16xf32>
      %broadcast_in_dim3A_561 = vector.broadcast %reduce_sum3A_560 : f32 to vector<16xf32>
      %select_n3A_562 = arith.select %eq3A_556, %broadcast_in_dim3A_561, %select_n3A_536 : vector<16xi1>, vector<16xf32>
      %get3A_563 = arith.constant 48 : index
      %get3A_564 = tpu.vector_load %arg16[%get3A_563] {strides = array<i32>} : memref<104xf32, #tpu.memory_space<vmem>>, vector<16xf32>,
      %get3A_565 = arith.constant 64 : index
      %get3A_566 = tpu.vector_load %arg16[%get3A_565] {strides = array<i32>} : memref<104xf32, #tpu.memory_space<vmem>>, vector<16xf32>,
      %ge3A_567 = arith.constant 4 : i32
      %ge3A_568 = vector.broadcast %ge3A_567 : i32 to vector<16xi32>
      %ge3A_569 = arith.cmpi sge, %iota3A, %ge3A_568 : vector<16xi32>
      %jit3A_570 = arith.constant 0.000000e+00 : f32
      %broadcast_in_dim3A_571 = vector.broadcast %jit3A_570 : f32 to vector<16xf32>
      %select_n3A_572 = arith.select %ge3A_569, %get3A_564, %broadcast_in_dim3A_571 : vector<16xi1>, vector<16xf32>
      %lt3A_573 = arith.constant 14 : i32
      %lt3A_574 = vector.broadcast %lt3A_573 : i32 to vector<16xi32>
      %lt3A_575 = arith.cmpi slt, %iota3A, %lt3A_574 : vector<16xi32>
      %jit3A_576 = arith.constant 0.000000e+00 : f32
      %broadcast_in_dim3A_577 = vector.broadcast %jit3A_576 : f32 to vector<16xf32>
      %select_n3A_578 = arith.select %lt3A_575, %get3A_566, %broadcast_in_dim3A_577 : vector<16xi1>, vector<16xf32>
      %add3A_579 = arith.addf %select_n3A_572, %select_n3A_578 : vector<16xf32>
      %eq3A_580 = arith.constant 2 : i32
      %eq3A_581 = vector.broadcast %eq3A_580 : i32 to vector<16xi32>
      %eq3A_582 = arith.cmpi eq, %iota3A, %eq3A_581 : vector<16xi32>
      %reduce_sum3A_583 = arith.constant true
      %reduce_sum3A_584 = vector.broadcast %reduce_sum3A_583 : i1 to vector<16xi1>
      %reduce_sum3A_585 = tpu.scan <sum>, %add3A_579 masked %reduce_sum3A_584 : vector<16xf32>, vector<16xi1> -> vector<16xf32>
      %reduce_sum3A_586 = vector.extract %reduce_sum3A_585[15] : f32 from vector<16xf32>
      %broadcast_in_dim3A_587 = vector.broadcast %reduce_sum3A_586 : f32 to vector<16xf32>
      %select_n3A_588 = arith.select %eq3A_582, %broadcast_in_dim3A_587, %select_n3A_562 : vector<16xi1>, vector<16xf32>
      %get3A_589 = arith.constant 72 : index
      %get3A_590 = tpu.vector_load %arg16[%get3A_589] {strides = array<i32>} : memref<104xf32, #tpu.memory_space<vmem>>, vector<16xf32>,
      %get3A_591 = arith.constant 88 : index
      %get3A_592 = tpu.vector_load %arg16[%get3A_591] {strides = array<i32>} : memref<104xf32, #tpu.memory_space<vmem>>, vector<16xf32>,
      %ge3A_593 = arith.constant 6 : i32
      %ge3A_594 = vector.broadcast %ge3A_593 : i32 to vector<16xi32>
      %ge3A_595 = arith.cmpi sge, %iota3A, %ge3A_594 : vector<16xi32>
      %jit3A_596 = arith.constant 0.000000e+00 : f32
      %broadcast_in_dim3A_597 = vector.broadcast %jit3A_596 : f32 to vector<16xf32>
      %select_n3A_598 = arith.select %ge3A_595, %get3A_590, %broadcast_in_dim3A_597 : vector<16xi1>, vector<16xf32>
      %add3A_599 = arith.addf %select_n3A_598, %get3A_592 : vector<16xf32>
      %eq3A_600 = arith.constant 3 : i32
      %eq3A_601 = vector.broadcast %eq3A_600 : i32 to vector<16xi32>
      %eq3A_602 = arith.cmpi eq, %iota3A, %eq3A_601 : vector<16xi32>
      %reduce_sum3A_603 = arith.constant true
      %reduce_sum3A_604 = vector.broadcast %reduce_sum3A_603 : i1 to vector<16xi1>
      %reduce_sum3A_605 = tpu.scan <sum>, %add3A_599 masked %reduce_sum3A_604 : vector<16xf32>, vector<16xi1> -> vector<16xf32>
      %reduce_sum3A_606 = vector.extract %reduce_sum3A_605[15] : f32 from vector<16xf32>
      %broadcast_in_dim3A_607 = vector.broadcast %reduce_sum3A_606 : f32 to vector<16xf32>
      %select_n3A_608 = arith.select %eq3A_602, %broadcast_in_dim3A_607, %select_n3A_588 : vector<16xi1>, vector<16xf32>
      %add3A_609 = arith.constant 8 : i32
      %add3A_610 = arith.addi %add3A_512, %add3A_609 : i32
      %lt3A_611 = arith.constant 128 : i32
      %lt3A_612 = arith.cmpi slt, %add3A_610, %lt3A_611 : i32
      %convert_element_type3A_613 = arith.extui %lt3A_612 : i1 to i32
      %cond3A_614 = arith.constant 0 : i32
      %cond3A_615 = arith.cmpi ne, %convert_element_type3A_613, %cond3A_614 : i32
      scf.if %cond3A_615 {
        %add3A_948 = arith.constant 8 : i32
        %add3A_949 = arith.addi %add3A_512, %add3A_948 : i32
        %mul3A_950 = arith.constant 104 : i32
        %mul3A_951 = arith.muli %add3A_949, %mul3A_950 : i32
        %dma_start3A_952 = tpu.memref_slice %arg8[%mul3A_951] : memref<13312xi32, #tpu.memory_space<vmem>> -> memref<104xi32, #tpu.memory_space<vmem>>
        %dma_start3A_953 = arith.constant 0 : i32
        %dma_start3A_954 = tpu.memref_slice %arg7[%dma_start3A_953] : memref<1000448xf32, #tpu.memory_space<vmem_shared>> -> memref<1000448xf32, #tpu.memory_space<vmem_shared>>
        tpu.enqueue_indirect_dma source(%dma_start3A_954 : memref<1000448xf32, #tpu.memory_space<vmem_shared>>) target(%arg16 : memref<104xf32, #tpu.memory_space<vmem>>) offsets(%dma_start3A_952 : memref<104xi32, #tpu.memory_space<vmem>>) semaphore(%arg24 : memref<!tpu.dma_semaphore, #tpu.memory_space<semaphore_mem>>)
      } else {
      }
      %mul3A_616 = arith.constant 8 : i32
      %mul3A_617 = arith.muli %scan3A_85, %mul3A_616 : i32
      %add3A_618 = arith.constant 5 : i32
      %add3A_619 = arith.addi %mul3A_617, %add3A_618 : i32
      %dma_wait3A_620 = arith.constant 0 : i32
      %dma_wait3A_621 = tpu.memref_slice %arg8[%dma_wait3A_620] : memref<13312xi32, #tpu.memory_space<vmem>> -> memref<104xi32, #tpu.memory_space<vmem>>
      %dma_wait3A_622 = arith.constant 0 : i32
      %dma_wait3A_623 = tpu.memref_slice %arg7[%dma_wait3A_622] : memref<1000448xf32, #tpu.memory_space<vmem_shared>> -> memref<1000448xf32, #tpu.memory_space<vmem_shared>>
      tpu.wait_indirect_dma semaphore(%arg25 : memref<!tpu.dma_semaphore, #tpu.memory_space<semaphore_mem>>) src(%dma_wait3A_623 : memref<1000448xf32, #tpu.memory_space<vmem_shared>>) dst(%arg17 : memref<104xf32, #tpu.memory_space<vmem>>)
      %get3A_624 = arith.constant 0 : index
      %get3A_625 = tpu.vector_load %arg17[%get3A_624] {strides = array<i32>} : memref<104xf32, #tpu.memory_space<vmem>>, vector<16xf32>,
      %get3A_626 = arith.constant 16 : index
      %get3A_627 = tpu.vector_load %arg17[%get3A_626] {strides = array<i32>} : memref<104xf32, #tpu.memory_space<vmem>>, vector<16xf32>,
      %lt3A_628 = arith.constant 10 : i32
      %lt3A_629 = vector.broadcast %lt3A_628 : i32 to vector<16xi32>
      %lt3A_630 = arith.cmpi slt, %iota3A, %lt3A_629 : vector<16xi32>
      %jit3A_631 = arith.constant 0.000000e+00 : f32
      %broadcast_in_dim3A_632 = vector.broadcast %jit3A_631 : f32 to vector<16xf32>
      %select_n3A_633 = arith.select %lt3A_630, %get3A_627, %broadcast_in_dim3A_632 : vector<16xi1>, vector<16xf32>
      %add3A_634 = arith.addf %get3A_625, %select_n3A_633 : vector<16xf32>
      %eq3A_635 = arith.constant 4 : i32
      %eq3A_636 = vector.broadcast %eq3A_635 : i32 to vector<16xi32>
      %eq3A_637 = arith.cmpi eq, %iota3A, %eq3A_636 : vector<16xi32>
      %reduce_sum3A_638 = arith.constant true
      %reduce_sum3A_639 = vector.broadcast %reduce_sum3A_638 : i1 to vector<16xi1>
      %reduce_sum3A_640 = tpu.scan <sum>, %add3A_634 masked %reduce_sum3A_639 : vector<16xf32>, vector<16xi1> -> vector<16xf32>
      %reduce_sum3A_641 = vector.extract %reduce_sum3A_640[15] : f32 from vector<16xf32>
      %broadcast_in_dim3A_642 = vector.broadcast %reduce_sum3A_641 : f32 to vector<16xf32>
      %select_n3A_643 = arith.select %eq3A_637, %broadcast_in_dim3A_642, %select_n3A_608 : vector<16xi1>, vector<16xf32>
      %get3A_644 = arith.constant 24 : index
      %get3A_645 = tpu.vector_load %arg17[%get3A_644] {strides = array<i32>} : memref<104xf32, #tpu.memory_space<vmem>>, vector<16xf32>,
      %get3A_646 = arith.constant 40 : index
      %get3A_647 = tpu.vector_load %arg17[%get3A_646] {strides = array<i32>} : memref<104xf32, #tpu.memory_space<vmem>>, vector<16xf32>,
      %ge3A_648 = arith.constant 2 : i32
      %ge3A_649 = vector.broadcast %ge3A_648 : i32 to vector<16xi32>
      %ge3A_650 = arith.cmpi sge, %iota3A, %ge3A_649 : vector<16xi32>
      %jit3A_651 = arith.constant 0.000000e+00 : f32
      %broadcast_in_dim3A_652 = vector.broadcast %jit3A_651 : f32 to vector<16xf32>
      %select_n3A_653 = arith.select %ge3A_650, %get3A_645, %broadcast_in_dim3A_652 : vector<16xi1>, vector<16xf32>
      %lt3A_654 = arith.constant 12 : i32
      %lt3A_655 = vector.broadcast %lt3A_654 : i32 to vector<16xi32>
      %lt3A_656 = arith.cmpi slt, %iota3A, %lt3A_655 : vector<16xi32>
      %jit3A_657 = arith.constant 0.000000e+00 : f32
      %broadcast_in_dim3A_658 = vector.broadcast %jit3A_657 : f32 to vector<16xf32>
      %select_n3A_659 = arith.select %lt3A_656, %get3A_647, %broadcast_in_dim3A_658 : vector<16xi1>, vector<16xf32>
      %add3A_660 = arith.addf %select_n3A_653, %select_n3A_659 : vector<16xf32>
      %eq3A_661 = arith.constant 5 : i32
      %eq3A_662 = vector.broadcast %eq3A_661 : i32 to vector<16xi32>
      %eq3A_663 = arith.cmpi eq, %iota3A, %eq3A_662 : vector<16xi32>
      %reduce_sum3A_664 = arith.constant true
      %reduce_sum3A_665 = vector.broadcast %reduce_sum3A_664 : i1 to vector<16xi1>
      %reduce_sum3A_666 = tpu.scan <sum>, %add3A_660 masked %reduce_sum3A_665 : vector<16xf32>, vector<16xi1> -> vector<16xf32>
      %reduce_sum3A_667 = vector.extract %reduce_sum3A_666[15] : f32 from vector<16xf32>
      %broadcast_in_dim3A_668 = vector.broadcast %reduce_sum3A_667 : f32 to vector<16xf32>
      %select_n3A_669 = arith.select %eq3A_663, %broadcast_in_dim3A_668, %select_n3A_643 : vector<16xi1>, vector<16xf32>
      %get3A_670 = arith.constant 48 : index
      %get3A_671 = tpu.vector_load %arg17[%get3A_670] {strides = array<i32>} : memref<104xf32, #tpu.memory_space<vmem>>, vector<16xf32>,
      %get3A_672 = arith.constant 64 : index
      %get3A_673 = tpu.vector_load %arg17[%get3A_672] {strides = array<i32>} : memref<104xf32, #tpu.memory_space<vmem>>, vector<16xf32>,
      %ge3A_674 = arith.constant 4 : i32
      %ge3A_675 = vector.broadcast %ge3A_674 : i32 to vector<16xi32>
      %ge3A_676 = arith.cmpi sge, %iota3A, %ge3A_675 : vector<16xi32>
      %jit3A_677 = arith.constant 0.000000e+00 : f32
      %broadcast_in_dim3A_678 = vector.broadcast %jit3A_677 : f32 to vector<16xf32>
      %select_n3A_679 = arith.select %ge3A_676, %get3A_671, %broadcast_in_dim3A_678 : vector<16xi1>, vector<16xf32>
      %lt3A_680 = arith.constant 14 : i32
      %lt3A_681 = vector.broadcast %lt3A_680 : i32 to vector<16xi32>
      %lt3A_682 = arith.cmpi slt, %iota3A, %lt3A_681 : vector<16xi32>
      %jit3A_683 = arith.constant 0.000000e+00 : f32
      %broadcast_in_dim3A_684 = vector.broadcast %jit3A_683 : f32 to vector<16xf32>
      %select_n3A_685 = arith.select %lt3A_682, %get3A_673, %broadcast_in_dim3A_684 : vector<16xi1>, vector<16xf32>
      %add3A_686 = arith.addf %select_n3A_679, %select_n3A_685 : vector<16xf32>
      %eq3A_687 = arith.constant 6 : i32
      %eq3A_688 = vector.broadcast %eq3A_687 : i32 to vector<16xi32>
      %eq3A_689 = arith.cmpi eq, %iota3A, %eq3A_688 : vector<16xi32>
      %reduce_sum3A_690 = arith.constant true
      %reduce_sum3A_691 = vector.broadcast %reduce_sum3A_690 : i1 to vector<16xi1>
      %reduce_sum3A_692 = tpu.scan <sum>, %add3A_686 masked %reduce_sum3A_691 : vector<16xf32>, vector<16xi1> -> vector<16xf32>
      %reduce_sum3A_693 = vector.extract %reduce_sum3A_692[15] : f32 from vector<16xf32>
      %broadcast_in_dim3A_694 = vector.broadcast %reduce_sum3A_693 : f32 to vector<16xf32>
      %select_n3A_695 = arith.select %eq3A_689, %broadcast_in_dim3A_694, %select_n3A_669 : vector<16xi1>, vector<16xf32>
      %get3A_696 = arith.constant 72 : index
      %get3A_697 = tpu.vector_load %arg17[%get3A_696] {strides = array<i32>} : memref<104xf32, #tpu.memory_space<vmem>>, vector<16xf32>,
      %get3A_698 = arith.constant 88 : index
      %get3A_699 = tpu.vector_load %arg17[%get3A_698] {strides = array<i32>} : memref<104xf32, #tpu.memory_space<vmem>>, vector<16xf32>,
      %ge3A_700 = arith.constant 6 : i32
      %ge3A_701 = vector.broadcast %ge3A_700 : i32 to vector<16xi32>
      %ge3A_702 = arith.cmpi sge, %iota3A, %ge3A_701 : vector<16xi32>
      %jit3A_703 = arith.constant 0.000000e+00 : f32
      %broadcast_in_dim3A_704 = vector.broadcast %jit3A_703 : f32 to vector<16xf32>
      %select_n3A_705 = arith.select %ge3A_702, %get3A_697, %broadcast_in_dim3A_704 : vector<16xi1>, vector<16xf32>
      %add3A_706 = arith.addf %select_n3A_705, %get3A_699 : vector<16xf32>
      %eq3A_707 = arith.constant 7 : i32
      %eq3A_708 = vector.broadcast %eq3A_707 : i32 to vector<16xi32>
      %eq3A_709 = arith.cmpi eq, %iota3A, %eq3A_708 : vector<16xi32>
      %reduce_sum3A_710 = arith.constant true
      %reduce_sum3A_711 = vector.broadcast %reduce_sum3A_710 : i1 to vector<16xi1>
      %reduce_sum3A_712 = tpu.scan <sum>, %add3A_706 masked %reduce_sum3A_711 : vector<16xf32>, vector<16xi1> -> vector<16xf32>
      %reduce_sum3A_713 = vector.extract %reduce_sum3A_712[15] : f32 from vector<16xf32>
      %broadcast_in_dim3A_714 = vector.broadcast %reduce_sum3A_713 : f32 to vector<16xf32>
      %select_n3A_715 = arith.select %eq3A_709, %broadcast_in_dim3A_714, %select_n3A_695 : vector<16xi1>, vector<16xf32>
      %add3A_716 = arith.constant 8 : i32
      %add3A_717 = arith.addi %add3A_619, %add3A_716 : i32
      %lt3A_718 = arith.constant 128 : i32
      %lt3A_719 = arith.cmpi slt, %add3A_717, %lt3A_718 : i32
      %convert_element_type3A_720 = arith.extui %lt3A_719 : i1 to i32
      %cond3A_721 = arith.constant 0 : i32
      %cond3A_722 = arith.cmpi ne, %convert_element_type3A_720, %cond3A_721 : i32
      scf.if %cond3A_722 {
        %add3A_948 = arith.constant 8 : i32
        %add3A_949 = arith.addi %add3A_619, %add3A_948 : i32
        %mul3A_950 = arith.constant 104 : i32
        %mul3A_951 = arith.muli %add3A_949, %mul3A_950 : i32
        %dma_start3A_952 = tpu.memref_slice %arg8[%mul3A_951] : memref<13312xi32, #tpu.memory_space<vmem>> -> memref<104xi32, #tpu.memory_space<vmem>>
        %dma_start3A_953 = arith.constant 0 : i32
        %dma_start3A_954 = tpu.memref_slice %arg7[%dma_start3A_953] : memref<1000448xf32, #tpu.memory_space<vmem_shared>> -> memref<1000448xf32, #tpu.memory_space<vmem_shared>>
        tpu.enqueue_indirect_dma source(%dma_start3A_954 : memref<1000448xf32, #tpu.memory_space<vmem_shared>>) target(%arg17 : memref<104xf32, #tpu.memory_space<vmem>>) offsets(%dma_start3A_952 : memref<104xi32, #tpu.memory_space<vmem>>) semaphore(%arg25 : memref<!tpu.dma_semaphore, #tpu.memory_space<semaphore_mem>>)
      } else {
      }
      %mul3A_723 = arith.constant 8 : i32
      %mul3A_724 = arith.muli %scan3A_85, %mul3A_723 : i32
      %add3A_725 = arith.constant 6 : i32
      %add3A_726 = arith.addi %mul3A_724, %add3A_725 : i32
      %dma_wait3A_727 = arith.constant 0 : i32
      %dma_wait3A_728 = tpu.memref_slice %arg8[%dma_wait3A_727] : memref<13312xi32, #tpu.memory_space<vmem>> -> memref<104xi32, #tpu.memory_space<vmem>>
      %dma_wait3A_729 = arith.constant 0 : i32
      %dma_wait3A_730 = tpu.memref_slice %arg7[%dma_wait3A_729] : memref<1000448xf32, #tpu.memory_space<vmem_shared>> -> memref<1000448xf32, #tpu.memory_space<vmem_shared>>
      tpu.wait_indirect_dma semaphore(%arg26 : memref<!tpu.dma_semaphore, #tpu.memory_space<semaphore_mem>>) src(%dma_wait3A_730 : memref<1000448xf32, #tpu.memory_space<vmem_shared>>) dst(%arg18 : memref<104xf32, #tpu.memory_space<vmem>>)
      %get3A_731 = arith.constant 0 : index
      %get3A_732 = tpu.vector_load %arg18[%get3A_731] {strides = array<i32>} : memref<104xf32, #tpu.memory_space<vmem>>, vector<16xf32>,
      %get3A_733 = arith.constant 16 : index
      %get3A_734 = tpu.vector_load %arg18[%get3A_733] {strides = array<i32>} : memref<104xf32, #tpu.memory_space<vmem>>, vector<16xf32>,
      %lt3A_735 = arith.constant 10 : i32
      %lt3A_736 = vector.broadcast %lt3A_735 : i32 to vector<16xi32>
      %lt3A_737 = arith.cmpi slt, %iota3A, %lt3A_736 : vector<16xi32>
      %jit3A_738 = arith.constant 0.000000e+00 : f32
      %broadcast_in_dim3A_739 = vector.broadcast %jit3A_738 : f32 to vector<16xf32>
      %select_n3A_740 = arith.select %lt3A_737, %get3A_734, %broadcast_in_dim3A_739 : vector<16xi1>, vector<16xf32>
      %add3A_741 = arith.addf %get3A_732, %select_n3A_740 : vector<16xf32>
      %eq3A_742 = arith.constant 8 : i32
      %eq3A_743 = vector.broadcast %eq3A_742 : i32 to vector<16xi32>
      %eq3A_744 = arith.cmpi eq, %iota3A, %eq3A_743 : vector<16xi32>
      %reduce_sum3A_745 = arith.constant true
      %reduce_sum3A_746 = vector.broadcast %reduce_sum3A_745 : i1 to vector<16xi1>
      %reduce_sum3A_747 = tpu.scan <sum>, %add3A_741 masked %reduce_sum3A_746 : vector<16xf32>, vector<16xi1> -> vector<16xf32>
      %reduce_sum3A_748 = vector.extract %reduce_sum3A_747[15] : f32 from vector<16xf32>
      %broadcast_in_dim3A_749 = vector.broadcast %reduce_sum3A_748 : f32 to vector<16xf32>
      %select_n3A_750 = arith.select %eq3A_744, %broadcast_in_dim3A_749, %select_n3A_715 : vector<16xi1>, vector<16xf32>
      %get3A_751 = arith.constant 24 : index
      %get3A_752 = tpu.vector_load %arg18[%get3A_751] {strides = array<i32>} : memref<104xf32, #tpu.memory_space<vmem>>, vector<16xf32>,
      %get3A_753 = arith.constant 40 : index
      %get3A_754 = tpu.vector_load %arg18[%get3A_753] {strides = array<i32>} : memref<104xf32, #tpu.memory_space<vmem>>, vector<16xf32>,
      %ge3A_755 = arith.constant 2 : i32
      %ge3A_756 = vector.broadcast %ge3A_755 : i32 to vector<16xi32>
      %ge3A_757 = arith.cmpi sge, %iota3A, %ge3A_756 : vector<16xi32>
      %jit3A_758 = arith.constant 0.000000e+00 : f32
      %broadcast_in_dim3A_759 = vector.broadcast %jit3A_758 : f32 to vector<16xf32>
      %select_n3A_760 = arith.select %ge3A_757, %get3A_752, %broadcast_in_dim3A_759 : vector<16xi1>, vector<16xf32>
      %lt3A_761 = arith.constant 12 : i32
      %lt3A_762 = vector.broadcast %lt3A_761 : i32 to vector<16xi32>
      %lt3A_763 = arith.cmpi slt, %iota3A, %lt3A_762 : vector<16xi32>
      %jit3A_764 = arith.constant 0.000000e+00 : f32
      %broadcast_in_dim3A_765 = vector.broadcast %jit3A_764 : f32 to vector<16xf32>
      %select_n3A_766 = arith.select %lt3A_763, %get3A_754, %broadcast_in_dim3A_765 : vector<16xi1>, vector<16xf32>
      %add3A_767 = arith.addf %select_n3A_760, %select_n3A_766 : vector<16xf32>
      %eq3A_768 = arith.constant 9 : i32
      %eq3A_769 = vector.broadcast %eq3A_768 : i32 to vector<16xi32>
      %eq3A_770 = arith.cmpi eq, %iota3A, %eq3A_769 : vector<16xi32>
      %reduce_sum3A_771 = arith.constant true
      %reduce_sum3A_772 = vector.broadcast %reduce_sum3A_771 : i1 to vector<16xi1>
      %reduce_sum3A_773 = tpu.scan <sum>, %add3A_767 masked %reduce_sum3A_772 : vector<16xf32>, vector<16xi1> -> vector<16xf32>
      %reduce_sum3A_774 = vector.extract %reduce_sum3A_773[15] : f32 from vector<16xf32>
      %broadcast_in_dim3A_775 = vector.broadcast %reduce_sum3A_774 : f32 to vector<16xf32>
      %select_n3A_776 = arith.select %eq3A_770, %broadcast_in_dim3A_775, %select_n3A_750 : vector<16xi1>, vector<16xf32>
      %get3A_777 = arith.constant 48 : index
      %get3A_778 = tpu.vector_load %arg18[%get3A_777] {strides = array<i32>} : memref<104xf32, #tpu.memory_space<vmem>>, vector<16xf32>,
      %get3A_779 = arith.constant 64 : index
      %get3A_780 = tpu.vector_load %arg18[%get3A_779] {strides = array<i32>} : memref<104xf32, #tpu.memory_space<vmem>>, vector<16xf32>,
      %ge3A_781 = arith.constant 4 : i32
      %ge3A_782 = vector.broadcast %ge3A_781 : i32 to vector<16xi32>
      %ge3A_783 = arith.cmpi sge, %iota3A, %ge3A_782 : vector<16xi32>
      %jit3A_784 = arith.constant 0.000000e+00 : f32
      %broadcast_in_dim3A_785 = vector.broadcast %jit3A_784 : f32 to vector<16xf32>
      %select_n3A_786 = arith.select %ge3A_783, %get3A_778, %broadcast_in_dim3A_785 : vector<16xi1>, vector<16xf32>
      %lt3A_787 = arith.constant 14 : i32
      %lt3A_788 = vector.broadcast %lt3A_787 : i32 to vector<16xi32>
      %lt3A_789 = arith.cmpi slt, %iota3A, %lt3A_788 : vector<16xi32>
      %jit3A_790 = arith.constant 0.000000e+00 : f32
      %broadcast_in_dim3A_791 = vector.broadcast %jit3A_790 : f32 to vector<16xf32>
      %select_n3A_792 = arith.select %lt3A_789, %get3A_780, %broadcast_in_dim3A_791 : vector<16xi1>, vector<16xf32>
      %add3A_793 = arith.addf %select_n3A_786, %select_n3A_792 : vector<16xf32>
      %eq3A_794 = arith.constant 10 : i32
      %eq3A_795 = vector.broadcast %eq3A_794 : i32 to vector<16xi32>
      %eq3A_796 = arith.cmpi eq, %iota3A, %eq3A_795 : vector<16xi32>
      %reduce_sum3A_797 = arith.constant true
      %reduce_sum3A_798 = vector.broadcast %reduce_sum3A_797 : i1 to vector<16xi1>
      %reduce_sum3A_799 = tpu.scan <sum>, %add3A_793 masked %reduce_sum3A_798 : vector<16xf32>, vector<16xi1> -> vector<16xf32>
      %reduce_sum3A_800 = vector.extract %reduce_sum3A_799[15] : f32 from vector<16xf32>
      %broadcast_in_dim3A_801 = vector.broadcast %reduce_sum3A_800 : f32 to vector<16xf32>
      %select_n3A_802 = arith.select %eq3A_796, %broadcast_in_dim3A_801, %select_n3A_776 : vector<16xi1>, vector<16xf32>
      %get3A_803 = arith.constant 72 : index
      %get3A_804 = tpu.vector_load %arg18[%get3A_803] {strides = array<i32>} : memref<104xf32, #tpu.memory_space<vmem>>, vector<16xf32>,
      %get3A_805 = arith.constant 88 : index
      %get3A_806 = tpu.vector_load %arg18[%get3A_805] {strides = array<i32>} : memref<104xf32, #tpu.memory_space<vmem>>, vector<16xf32>,
      %ge3A_807 = arith.constant 6 : i32
      %ge3A_808 = vector.broadcast %ge3A_807 : i32 to vector<16xi32>
      %ge3A_809 = arith.cmpi sge, %iota3A, %ge3A_808 : vector<16xi32>
      %jit3A_810 = arith.constant 0.000000e+00 : f32
      %broadcast_in_dim3A_811 = vector.broadcast %jit3A_810 : f32 to vector<16xf32>
      %select_n3A_812 = arith.select %ge3A_809, %get3A_804, %broadcast_in_dim3A_811 : vector<16xi1>, vector<16xf32>
      %add3A_813 = arith.addf %select_n3A_812, %get3A_806 : vector<16xf32>
      %eq3A_814 = arith.constant 11 : i32
      %eq3A_815 = vector.broadcast %eq3A_814 : i32 to vector<16xi32>
      %eq3A_816 = arith.cmpi eq, %iota3A, %eq3A_815 : vector<16xi32>
      %reduce_sum3A_817 = arith.constant true
      %reduce_sum3A_818 = vector.broadcast %reduce_sum3A_817 : i1 to vector<16xi1>
      %reduce_sum3A_819 = tpu.scan <sum>, %add3A_813 masked %reduce_sum3A_818 : vector<16xf32>, vector<16xi1> -> vector<16xf32>
      %reduce_sum3A_820 = vector.extract %reduce_sum3A_819[15] : f32 from vector<16xf32>
      %broadcast_in_dim3A_821 = vector.broadcast %reduce_sum3A_820 : f32 to vector<16xf32>
      %select_n3A_822 = arith.select %eq3A_816, %broadcast_in_dim3A_821, %select_n3A_802 : vector<16xi1>, vector<16xf32>
      %add3A_823 = arith.constant 8 : i32
      %add3A_824 = arith.addi %add3A_726, %add3A_823 : i32
      %lt3A_825 = arith.constant 128 : i32
      %lt3A_826 = arith.cmpi slt, %add3A_824, %lt3A_825 : i32
      %convert_element_type3A_827 = arith.extui %lt3A_826 : i1 to i32
      %cond3A_828 = arith.constant 0 : i32
      %cond3A_829 = arith.cmpi ne, %convert_element_type3A_827, %cond3A_828 : i32
      scf.if %cond3A_829 {
        %add3A_948 = arith.constant 8 : i32
        %add3A_949 = arith.addi %add3A_726, %add3A_948 : i32
        %mul3A_950 = arith.constant 104 : i32
        %mul3A_951 = arith.muli %add3A_949, %mul3A_950 : i32
        %dma_start3A_952 = tpu.memref_slice %arg8[%mul3A_951] : memref<13312xi32, #tpu.memory_space<vmem>> -> memref<104xi32, #tpu.memory_space<vmem>>
        %dma_start3A_953 = arith.constant 0 : i32
        %dma_start3A_954 = tpu.memref_slice %arg7[%dma_start3A_953] : memref<1000448xf32, #tpu.memory_space<vmem_shared>> -> memref<1000448xf32, #tpu.memory_space<vmem_shared>>
        tpu.enqueue_indirect_dma source(%dma_start3A_954 : memref<1000448xf32, #tpu.memory_space<vmem_shared>>) target(%arg18 : memref<104xf32, #tpu.memory_space<vmem>>) offsets(%dma_start3A_952 : memref<104xi32, #tpu.memory_space<vmem>>) semaphore(%arg26 : memref<!tpu.dma_semaphore, #tpu.memory_space<semaphore_mem>>)
      } else {
      }
      %mul3A_830 = arith.constant 8 : i32
      %mul3A_831 = arith.muli %scan3A_85, %mul3A_830 : i32
      %add3A_832 = arith.constant 7 : i32
      %add3A_833 = arith.addi %mul3A_831, %add3A_832 : i32
      %dma_wait3A_834 = arith.constant 0 : i32
      %dma_wait3A_835 = tpu.memref_slice %arg8[%dma_wait3A_834] : memref<13312xi32, #tpu.memory_space<vmem>> -> memref<104xi32, #tpu.memory_space<vmem>>
      %dma_wait3A_836 = arith.constant 0 : i32
      %dma_wait3A_837 = tpu.memref_slice %arg7[%dma_wait3A_836] : memref<1000448xf32, #tpu.memory_space<vmem_shared>> -> memref<1000448xf32, #tpu.memory_space<vmem_shared>>
      tpu.wait_indirect_dma semaphore(%arg27 : memref<!tpu.dma_semaphore, #tpu.memory_space<semaphore_mem>>) src(%dma_wait3A_837 : memref<1000448xf32, #tpu.memory_space<vmem_shared>>) dst(%arg19 : memref<104xf32, #tpu.memory_space<vmem>>)
      %get3A_838 = arith.constant 0 : index
      %get3A_839 = tpu.vector_load %arg19[%get3A_838] {strides = array<i32>} : memref<104xf32, #tpu.memory_space<vmem>>, vector<16xf32>,
      %get3A_840 = arith.constant 16 : index
      %get3A_841 = tpu.vector_load %arg19[%get3A_840] {strides = array<i32>} : memref<104xf32, #tpu.memory_space<vmem>>, vector<16xf32>,
      %lt3A_842 = arith.constant 10 : i32
      %lt3A_843 = vector.broadcast %lt3A_842 : i32 to vector<16xi32>
      %lt3A_844 = arith.cmpi slt, %iota3A, %lt3A_843 : vector<16xi32>
      %jit3A_845 = arith.constant 0.000000e+00 : f32
      %broadcast_in_dim3A_846 = vector.broadcast %jit3A_845 : f32 to vector<16xf32>
      %select_n3A_847 = arith.select %lt3A_844, %get3A_841, %broadcast_in_dim3A_846 : vector<16xi1>, vector<16xf32>
      %add3A_848 = arith.addf %get3A_839, %select_n3A_847 : vector<16xf32>
      %eq3A_849 = arith.constant 12 : i32
      %eq3A_850 = vector.broadcast %eq3A_849 : i32 to vector<16xi32>
      %eq3A_851 = arith.cmpi eq, %iota3A, %eq3A_850 : vector<16xi32>
      %reduce_sum3A_852 = arith.constant true
      %reduce_sum3A_853 = vector.broadcast %reduce_sum3A_852 : i1 to vector<16xi1>
      %reduce_sum3A_854 = tpu.scan <sum>, %add3A_848 masked %reduce_sum3A_853 : vector<16xf32>, vector<16xi1> -> vector<16xf32>
      %reduce_sum3A_855 = vector.extract %reduce_sum3A_854[15] : f32 from vector<16xf32>
      %broadcast_in_dim3A_856 = vector.broadcast %reduce_sum3A_855 : f32 to vector<16xf32>
      %select_n3A_857 = arith.select %eq3A_851, %broadcast_in_dim3A_856, %select_n3A_822 : vector<16xi1>, vector<16xf32>
      %get3A_858 = arith.constant 24 : index
      %get3A_859 = tpu.vector_load %arg19[%get3A_858] {strides = array<i32>} : memref<104xf32, #tpu.memory_space<vmem>>, vector<16xf32>,
      %get3A_860 = arith.constant 40 : index
      %get3A_861 = tpu.vector_load %arg19[%get3A_860] {strides = array<i32>} : memref<104xf32, #tpu.memory_space<vmem>>, vector<16xf32>,
      %ge3A_862 = arith.constant 2 : i32
      %ge3A_863 = vector.broadcast %ge3A_862 : i32 to vector<16xi32>
      %ge3A_864 = arith.cmpi sge, %iota3A, %ge3A_863 : vector<16xi32>
      %jit3A_865 = arith.constant 0.000000e+00 : f32
      %broadcast_in_dim3A_866 = vector.broadcast %jit3A_865 : f32 to vector<16xf32>
      %select_n3A_867 = arith.select %ge3A_864, %get3A_859, %broadcast_in_dim3A_866 : vector<16xi1>, vector<16xf32>
      %lt3A_868 = arith.constant 12 : i32
      %lt3A_869 = vector.broadcast %lt3A_868 : i32 to vector<16xi32>
      %lt3A_870 = arith.cmpi slt, %iota3A, %lt3A_869 : vector<16xi32>
      %jit3A_871 = arith.constant 0.000000e+00 : f32
      %broadcast_in_dim3A_872 = vector.broadcast %jit3A_871 : f32 to vector<16xf32>
      %select_n3A_873 = arith.select %lt3A_870, %get3A_861, %broadcast_in_dim3A_872 : vector<16xi1>, vector<16xf32>
      %add3A_874 = arith.addf %select_n3A_867, %select_n3A_873 : vector<16xf32>
      %eq3A_875 = arith.constant 13 : i32
      %eq3A_876 = vector.broadcast %eq3A_875 : i32 to vector<16xi32>
      %eq3A_877 = arith.cmpi eq, %iota3A, %eq3A_876 : vector<16xi32>
      %reduce_sum3A_878 = arith.constant true
      %reduce_sum3A_879 = vector.broadcast %reduce_sum3A_878 : i1 to vector<16xi1>
      %reduce_sum3A_880 = tpu.scan <sum>, %add3A_874 masked %reduce_sum3A_879 : vector<16xf32>, vector<16xi1> -> vector<16xf32>
      %reduce_sum3A_881 = vector.extract %reduce_sum3A_880[15] : f32 from vector<16xf32>
      %broadcast_in_dim3A_882 = vector.broadcast %reduce_sum3A_881 : f32 to vector<16xf32>
      %select_n3A_883 = arith.select %eq3A_877, %broadcast_in_dim3A_882, %select_n3A_857 : vector<16xi1>, vector<16xf32>
      %get3A_884 = arith.constant 48 : index
      %get3A_885 = tpu.vector_load %arg19[%get3A_884] {strides = array<i32>} : memref<104xf32, #tpu.memory_space<vmem>>, vector<16xf32>,
      %get3A_886 = arith.constant 64 : index
      %get3A_887 = tpu.vector_load %arg19[%get3A_886] {strides = array<i32>} : memref<104xf32, #tpu.memory_space<vmem>>, vector<16xf32>,
      %ge3A_888 = arith.constant 4 : i32
      %ge3A_889 = vector.broadcast %ge3A_888 : i32 to vector<16xi32>
      %ge3A_890 = arith.cmpi sge, %iota3A, %ge3A_889 : vector<16xi32>
      %jit3A_891 = arith.constant 0.000000e+00 : f32
      %broadcast_in_dim3A_892 = vector.broadcast %jit3A_891 : f32 to vector<16xf32>
      %select_n3A_893 = arith.select %ge3A_890, %get3A_885, %broadcast_in_dim3A_892 : vector<16xi1>, vector<16xf32>
      %lt3A_894 = arith.constant 14 : i32
      %lt3A_895 = vector.broadcast %lt3A_894 : i32 to vector<16xi32>
      %lt3A_896 = arith.cmpi slt, %iota3A, %lt3A_895 : vector<16xi32>
      %jit3A_897 = arith.constant 0.000000e+00 : f32
      %broadcast_in_dim3A_898 = vector.broadcast %jit3A_897 : f32 to vector<16xf32>
      %select_n3A_899 = arith.select %lt3A_896, %get3A_887, %broadcast_in_dim3A_898 : vector<16xi1>, vector<16xf32>
      %add3A_900 = arith.addf %select_n3A_893, %select_n3A_899 : vector<16xf32>
      %eq3A_901 = arith.constant 14 : i32
      %eq3A_902 = vector.broadcast %eq3A_901 : i32 to vector<16xi32>
      %eq3A_903 = arith.cmpi eq, %iota3A, %eq3A_902 : vector<16xi32>
      %reduce_sum3A_904 = arith.constant true
      %reduce_sum3A_905 = vector.broadcast %reduce_sum3A_904 : i1 to vector<16xi1>
      %reduce_sum3A_906 = tpu.scan <sum>, %add3A_900 masked %reduce_sum3A_905 : vector<16xf32>, vector<16xi1> -> vector<16xf32>
      %reduce_sum3A_907 = vector.extract %reduce_sum3A_906[15] : f32 from vector<16xf32>
      %broadcast_in_dim3A_908 = vector.broadcast %reduce_sum3A_907 : f32 to vector<16xf32>
      %select_n3A_909 = arith.select %eq3A_903, %broadcast_in_dim3A_908, %select_n3A_883 : vector<16xi1>, vector<16xf32>
      %get3A_910 = arith.constant 72 : index
      %get3A_911 = tpu.vector_load %arg19[%get3A_910] {strides = array<i32>} : memref<104xf32, #tpu.memory_space<vmem>>, vector<16xf32>,
      %get3A_912 = arith.constant 88 : index
      %get3A_913 = tpu.vector_load %arg19[%get3A_912] {strides = array<i32>} : memref<104xf32, #tpu.memory_space<vmem>>, vector<16xf32>,
      %ge3A_914 = arith.constant 6 : i32
      %ge3A_915 = vector.broadcast %ge3A_914 : i32 to vector<16xi32>
      %ge3A_916 = arith.cmpi sge, %iota3A, %ge3A_915 : vector<16xi32>
      %jit3A_917 = arith.constant 0.000000e+00 : f32
      %broadcast_in_dim3A_918 = vector.broadcast %jit3A_917 : f32 to vector<16xf32>
      %select_n3A_919 = arith.select %ge3A_916, %get3A_911, %broadcast_in_dim3A_918 : vector<16xi1>, vector<16xf32>
      %add3A_920 = arith.addf %select_n3A_919, %get3A_913 : vector<16xf32>
      %eq3A_921 = arith.constant 15 : i32
      %eq3A_922 = vector.broadcast %eq3A_921 : i32 to vector<16xi32>
      %eq3A_923 = arith.cmpi eq, %iota3A, %eq3A_922 : vector<16xi32>
      %reduce_sum3A_924 = arith.constant true
      %reduce_sum3A_925 = vector.broadcast %reduce_sum3A_924 : i1 to vector<16xi1>
      %reduce_sum3A_926 = tpu.scan <sum>, %add3A_920 masked %reduce_sum3A_925 : vector<16xf32>, vector<16xi1> -> vector<16xf32>
      %reduce_sum3A_927 = vector.extract %reduce_sum3A_926[15] : f32 from vector<16xf32>
      %broadcast_in_dim3A_928 = vector.broadcast %reduce_sum3A_927 : f32 to vector<16xf32>
      %select_n3A_929 = arith.select %eq3A_923, %broadcast_in_dim3A_928, %select_n3A_909 : vector<16xi1>, vector<16xf32>
      %add3A_930 = arith.constant 8 : i32
      %add3A_931 = arith.addi %add3A_833, %add3A_930 : i32
      %lt3A_932 = arith.constant 128 : i32
      %lt3A_933 = arith.cmpi slt, %add3A_931, %lt3A_932 : i32
      %convert_element_type3A_934 = arith.extui %lt3A_933 : i1 to i32
      %cond3A_935 = arith.constant 0 : i32
      %cond3A_936 = arith.cmpi ne, %convert_element_type3A_934, %cond3A_935 : i32
      scf.if %cond3A_936 {
        %add3A_948 = arith.constant 8 : i32
        %add3A_949 = arith.addi %add3A_833, %add3A_948 : i32
        %mul3A_950 = arith.constant 104 : i32
        %mul3A_951 = arith.muli %add3A_949, %mul3A_950 : i32
        %dma_start3A_952 = tpu.memref_slice %arg8[%mul3A_951] : memref<13312xi32, #tpu.memory_space<vmem>> -> memref<104xi32, #tpu.memory_space<vmem>>
        %dma_start3A_953 = arith.constant 0 : i32
        %dma_start3A_954 = tpu.memref_slice %arg7[%dma_start3A_953] : memref<1000448xf32, #tpu.memory_space<vmem_shared>> -> memref<1000448xf32, #tpu.memory_space<vmem_shared>>
        tpu.enqueue_indirect_dma source(%dma_start3A_954 : memref<1000448xf32, #tpu.memory_space<vmem_shared>>) target(%arg19 : memref<104xf32, #tpu.memory_space<vmem>>) offsets(%dma_start3A_952 : memref<104xi32, #tpu.memory_space<vmem>>) semaphore(%arg27 : memref<!tpu.dma_semaphore, #tpu.memory_space<semaphore_mem>>)
      } else {
      }
      %mul3A_937 = arith.constant 32 : i32
      %mul3A_938 = arith.muli %scan3A_85, %mul3A_937 : i32
      %add3A_939 = arith.constant 0 : i32
      %add3A_940 = arith.addi %mul3A_938, %add3A_939 : i32
      %swap3A = arith.index_cast %add3A_940 : i32 to index
      %swap3A_941 = tpu.vector_load %arg11[%swap3A] {strides = array<i32>} : memref<512xf32, #tpu.memory_space<vmem>>, vector<16xf32>,
      tpu.vector_store %arg11[%swap3A], %select_n3A_501 {strides = array<i32>} : memref<512xf32, #tpu.memory_space<vmem>>, vector<16xf32>,
      %mul3A_942 = arith.constant 32 : i32
      %mul3A_943 = arith.muli %scan3A_85, %mul3A_942 : i32
      %add3A_944 = arith.constant 16 : i32
      %add3A_945 = arith.addi %mul3A_943, %add3A_944 : i32
      %swap3A_946 = arith.index_cast %add3A_945 : i32 to index
      %swap3A_947 = tpu.vector_load %arg11[%swap3A_946] {strides = array<i32>} : memref<512xf32, #tpu.memory_space<vmem>>, vector<16xf32>,
      tpu.vector_store %arg11[%swap3A_946], %select_n3A_929 {strides = array<i32>} : memref<512xf32, #tpu.memory_space<vmem>>, vector<16xf32>,
    }
    %scan3A_76 = arith.constant 16 : i32
    %get3A_77 = arith.constant 0 : index
    %get3A_78 = tpu.vector_load %arg10[%get3A_77] {strides = array<i32>} : memref<16xf32, #tpu.memory_space<vmem>>, vector<16xf32>,
    %scan3A_79 = arith.constant 0 : i32
    %scan3A_80 = arith.constant 0 : i32
    %scan3A_81 = arith.constant 32 : i32
    %scan3A_82 = arith.addi %scan3A_80, %scan3A_81 : i32
    %scan3A_83 = arith.constant 1 : i32
    scf.for %scan3A_85 = %scan3A_80 to %scan3A_82 step %scan3A_83  : i32 {
      %mul3A_86 = arith.constant 16 : i32
      %mul3A_87 = arith.muli %scan3A_85, %mul3A_86 : i32
      %get3A_88 = arith.index_cast %mul3A_87 : i32 to index
      %get3A_89 = tpu.vector_load %arg11[%get3A_88] {strides = array<i32>} : memref<512xf32, #tpu.memory_space<vmem>>, vector<16xf32>,
      %add3A_90 = arith.addf %get3A_89, %get3A_78 : vector<16xf32>
      %neg3A = arith.constant 0.000000e+00 : f32
      %neg3A_91 = vector.broadcast %neg3A : f32 to vector<16xf32>
      %neg3A_92 = arith.subf %neg3A_91, %add3A_90 : vector<16xf32>
      %exp3A = math.exp %neg3A_92 : vector<16xf32>
      %add3A_93 = arith.constant 1.000000e+00 : f32
      %add3A_94 = vector.broadcast %add3A_93 : f32 to vector<16xf32>
      %add3A_95 = arith.addf %add3A_94, %exp3A : vector<16xf32>
      %div3A = arith.constant 1.000000e+00 : f32
      %div3A_96 = vector.broadcast %div3A : f32 to vector<16xf32>
      %div3A_97 = arith.divf %div3A_96, %add3A_95 : vector<16xf32>
      %swap3A = arith.index_cast %mul3A_87 : i32 to index
      %swap3A_98 = tpu.vector_load %arg11[%swap3A] {strides = array<i32>} : memref<512xf32, #tpu.memory_space<vmem>>, vector<16xf32>,
      tpu.vector_store %arg11[%swap3A], %div3A_97 {strides = array<i32>} : memref<512xf32, #tpu.memory_space<vmem>>, vector<16xf32>,
    }
    %scan3A_84 = arith.constant 32 : i32
    "tpu.region"() ({
      %run_scoped3A = tpu.sem_alloc : memref<!tpu.dma_semaphore, #tpu.memory_space<semaphore_mem>>
      %dma_start3A_85 = tpu.memref_slice %arg6[%mul3A_4] : memref<16384xf32, #tpu.memory_space<hbm>> -> memref<512xf32, #tpu.memory_space<hbm>>
      %dma_start3A_86 = tpu.memref_slice %arg6[%mul3A_4] : memref<16384xf32, #tpu.memory_space<hbm>> -> memref<512xf32, #tpu.memory_space<hbm>>
      tpu.enqueue_dma source(%arg11 : memref<512xf32, #tpu.memory_space<vmem>>) target(%dma_start3A_86 : memref<512xf32, #tpu.memory_space<hbm>>) target_semaphore(%run_scoped3A : memref<!tpu.dma_semaphore, #tpu.memory_space<semaphore_mem>>)
      %dma_wait3A_87 = tpu.memref_slice %arg6[%mul3A_4] : memref<16384xf32, #tpu.memory_space<hbm>> -> memref<512xf32, #tpu.memory_space<hbm>>
      %dma_wait3A_88 = tpu.memref_slice %arg6[%mul3A_4] : memref<16384xf32, #tpu.memory_space<hbm>> -> memref<512xf32, #tpu.memory_space<hbm>>
      tpu.wait_dma2 semaphore(%run_scoped3A : memref<!tpu.dma_semaphore, #tpu.memory_space<semaphore_mem>>) src(%arg11 : memref<512xf32, #tpu.memory_space<vmem>>) dst(%dma_wait3A_88 : memref<512xf32, #tpu.memory_space<hbm>>)
      tpu.yield
    }) : () -> ()
    return
  }
}

module attributes {stable_mosaic.version = 14 : i64} {
  func.func @_tc_dot_kernel(%arg0: i32, %arg1: memref<16x131072xf32, #tpu.memory_space<vmem>>, %arg2: memref<16x1xf32, #tpu.memory_space<vmem>>, %arg3: memref<131072xf32, #tpu.memory_space<vmem>>) attributes {dimension_semantics = [#tpu.dimension_semantics<arbitrary>], iteration_bounds = array<i64: 8>, scalar_prefetch = 0 : i64, scratch_operands = 0 : i64, tpu.core_type = #tpu.core_type<tc>, window_params = [{transform_indices = @transform_0, window_bounds = array<i64: 16, 131072>}, {pipeline_mode = #tpu.pipeline_mode<synchronous>, transform_indices = @transform_1, window_bounds = array<i64: 16, 1>}, {transform_indices = @transform_2, window_bounds = array<i64: 131072>}]} {
    %get3A = arith.constant 0 : index
    %get3A_0 = arith.constant 0 : index
    %get3A_1 = vector.load %arg1[%get3A, %get3A_0] : memref<16x131072xf32, #tpu.memory_space<vmem>>, vector<16x131072xf32>
    %get3A_2 = arith.constant 0 : index
    %get3A_3 = arith.constant 0 : index
    %get3A_4 = vector.load %arg2[%get3A_2, %get3A_3] : memref<16x1xf32, #tpu.memory_space<vmem>>, vector<16x1xf32>
    %mul3A = arith.constant 0.0384615399 : f32
    %mul3A_5 = vector.broadcast %mul3A : f32 to vector<16x1xf32>
    %mul3A_6 = arith.mulf %get3A_4, %mul3A_5 : vector<16x1xf32>
    %mul3A_7 = vector.broadcast %mul3A_6 : vector<16x1xf32> to vector<16x131072xf32>
    %mul3A_8 = arith.mulf %get3A_1, %mul3A_7 : vector<16x131072xf32>
    %reduce_sum3A = arith.constant dense<0.000000e+00> : vector<131072xf32>
    %reduce_sum3A_9 = vector.multi_reduction <add>, %mul3A_8, %reduce_sum3A [0] : vector<16x131072xf32> to vector<131072xf32>
    %swap3A = arith.constant 0 : index
    %swap3A_10 = vector.load %arg3[%swap3A] : memref<131072xf32, #tpu.memory_space<vmem>>, vector<131072xf32>
    tpu.vector_store %arg3[%swap3A], %reduce_sum3A_9 {strides = array<i32>} : memref<131072xf32, #tpu.memory_space<vmem>>, vector<131072xf32>,
    return
  }
  func.func @transform_0(%arg0: i32) -> (i32, i32) {
    %c0_i32 = arith.constant 0 : i32
    %c0_i32_0 = arith.constant 0 : i32
    return %c0_i32, %arg0 : i32, i32
  }
  func.func @transform_1(%arg0: i32) -> (i32, i32) {
    %c0_i32 = arith.constant 0 : i32
    %c0_i32_0 = arith.constant 0 : i32
    %c0_i32_1 = arith.constant 0 : i32
    return %c0_i32, %c0_i32_0 : i32, i32
  }
  func.func @transform_2(%arg0: i32) -> i32 {
    %c0_i32 = arith.constant 0 : i32
    return %arg0 : i32
  }
}

</mosaic_0001>

<sc_bundles>
// kernel: kernel.4.cloned.1.call-start
scs
__scs_entry_jumppad:
0x0: {  	(pc) =	sbr.rel $0x88, $3  }
0x1: {  	(tag) =	ssettag $0x0;
	lr =	simm.s32 $0x1  }
0x2: {  	[smem:$0x3F9C] =	sst lr;
	_ =	strace $0xD0000000  }
0x3: {  	_ = 	snop  }
0x4: {  	_ = 	snop  }
0x5: {  	_ = 	snop  }
0x6: {  	_ = 	snop  }
0x7: {  	_ = 	snop  }
__scs_overlays_trampoline_lowered:
0x8: {  	[smem:$0x3FAB] =	sst s0  }
0x9: {  	[smem:$0x3FAC] =	sst s1  }
0xa: {  	[smem:$0x3FAD] =	sst s2  }
0xb: {  	[smem:$0x3FAE] =	sst s3  }
0xc: {  	[smem:$0x3FAF] =	sst s4  }
0xd: {  	[smem:$0x3FB0] =	sst s5  }
0xe: {  	[smem:$0x3FB1] =	sst s6  }
0xf: {  	[smem:$0x3FB2] =	sst s7  }
0x10: {  	[smem:$0x3FB3] =	sst s8  }
0x11: {  	[smem:$0x3FB4] =	sst s9;
	s0 =	simm.s32 @!p0 $0x0  }
0x12: {  	s1 =	sld [smem:$0x3F9A];
	s0 =	simm.s32 @p0 $0x1  }
0x13: {  	[smem:$0x3FB5] =	sst s0;
	s0 =	simm.s32 @!p1 $0x0  }
0x14: {  	s2 =	sld [smem:$0x3F99];
	s0 =	simm.s32 @p1 $0x1  }
0x15: {  	[smem:$0x3FB6] =	sst s0;
	s0 =	simm.s32 @!p2 $0x0  }
0x16: {  	s3 =	sld [smem:$0x3FDB];
	s0 =	simm.s32 @p2 $0x1  }
0x17: {  	s4 =	simm.s32 $0x1BF5;
	[smem:$0x3FB8] =	sst s0  }
0x18: {  	s0 =	sld [smem:$0x3F9B];
	_ =	swait.ge [sflag:s4], $0x0  }
0x19: {  	s7 =	sld [smem:$0x3F9C]  }
0x1a: {  	s8 =	sadd.s32 $0xFFFFE003, lr  }
0x1b: {  	s9 =	sadd.s32 $0xFFFFFEF7, lr;
	s5 =	simm.s32 $0xFFFFFFFF;
	p2 =	slt.u32 s8, $0xFFFFF086  }
0x1c: {  	p1 =	slt.u32 s9, $0xF7A;
	s5 =	simm.s32 @!p2 $0x0  }
0x1d: {  	s5 =	simm.s32 @p1 $0x1;
	p0 =	seq.s32 s7, s2  }
0x1e: {  	s7 =	smul.u32 @!p0 $0xF7A, s2;
	p2 =	seq.s32 @!p0 s5, $0x0  }
0x1f: {  	s9 =	smul.u32 $0xF7A, s1;
	s8 =	simm.s32 @!p0 $0x1BF5;
	p2 =	por !p2, p0  }
0x20: {  	[sflag:s8] =	ssyncset.s32 @!p0 $0xFFFFF086;
	s6 =	sadd.s32 @!p0 s3, s7;
	s7 =	simm.s32 @!p0 $0x108  }
0x21: {  	s3 =	sadd.s32 s3, s9;
	s6 =	sadd.s32 @!p0 $0x88, s6;
	s7 =	simm.s32 @p2 $0x1082  }
0x22: {  	[simem:s7], [sflag:s8] =	dma.local @!p0 [hbm:s6], $0xF7A  }
0x23: {  	s9 =	sor.u32 $0xD0000000, s2;
	s6 =	simm.s32 $0x108;
	_ =	swait.ge @!p0 [sflag:s8], $0x0  }
0x24: {  	s3 =	sadd.s32 $0x88, s3;
	s6 =	simm.s32 @!p1 $0x1082;
	[sflag:s4] =	ssyncset.s32 $0xFFFFF086  }
0x25: {  	[simem:s6], [sflag:s4] =	dma.local [hbm:s3], $0xF7A  }
0x26: {  	[smem:$0x3F9C] =	sst s1;
	(tag) =	ssettag s2;
	_ =	strace s9  }
0x27: {  	s1 =	sld [smem:$0x3FAC]  }
0x28: {  	s2 =	sld [smem:$0x3FAD]  }
0x29: {  	s4 =	sld [smem:$0x3FAF]  }
0x2a: {  	p0 =	seq.s32 s5, $0x0;
	s5 =	sld [smem:$0x3FB0]  }
0x2b: {  	s6 =	sld [smem:$0x3FB1]  }
0x2c: {  	s7 =	sld [smem:$0x3FB2]  }
0x2d: {  	s3 =	simm.s32 $0x108;
	s8 =	sld [smem:$0x3FB3]  }
0x2e: {  	s3 =	simm.s32 @!p0 $0x1082;
	s9 =	sld [smem:$0x3FB4]  }
0x2f: {  	lr =	sadd.s32 s0, s3;
	s0 =	sld [smem:$0x3FAB]  }
0x30: {  	s3 =	sld [smem:$0x3FAE]  }
0x31: {  	[smem:$0x3FB7] =	sst s10  }
0x32: {  	s10 =	sld [smem:$0x3FB5];
	_ =	sdelay $0x3  }
0x33: {  	p0 =	seq.s32 s10, $0x1;
	s10 =	sld [smem:$0x3FB7];
	_ =	sdelay $0x3  }
0x34: {  	[smem:$0x3FB7] =	sst s10  }
0x35: {  	s10 =	sld [smem:$0x3FB6];
	_ =	sdelay $0x3  }
0x36: {  	p1 =	seq.s32 s10, $0x1;
	s10 =	sld [smem:$0x3FB7];
	_ =	sdelay $0x3  }
0x37: {  	[smem:$0x3FB7] =	sst s10  }
0x38: {  	s10 =	sld [smem:$0x3FB8]  }
0x39: {  	_ = 	snop;
	(pc) =	sbr.ind lr, $3  }
0x3a: {  	_ = 	snop  }
0x3b: {  	_ = 	snop  }
0x3c: {  	p2 =	seq.s32 s10, $0x1;
	s10 =	sld [smem:$0x3FB7]  }
0x3d: {  	_ =	shalt  }
0x3e: {  	_ =	shalt  }
0x3f: {  	_ =	shalt  }
0x40: {  	_ =	shalt  }
0x41: {  	_ =	shalt  }
0x42: {  	_ =	shalt  }
0x43: {  	_ =	shalt  }
0x44: {  	_ =	shalt  }
0x45: {  	_ =	shalt  }
0x46: {  	_ =	shalt  }
0x47: {  	_ =	shalt  }
0x48: {  	_ =	shalt  }
0x49: {  	_ =	shalt  }
0x4a: {  	_ =	shalt  }
0x4b: {  	_ =	shalt  }
0x4c: {  	_ =	shalt  }
0x4d: {  	_ =	shalt  }
0x4e: {  	_ =	shalt  }
0x4f: {  	_ =	shalt  }
0x50: {  	_ =	shalt  }
0x51: {  	_ =	shalt  }
0x52: {  	_ =	shalt  }
0x53: {  	_ =	shalt  }
0x54: {  	_ =	shalt  }
0x55: {  	_ =	shalt  }
0x56: {  	_ =	shalt  }
0x57: {  	_ =	shalt  }
0x58: {  	_ =	shalt  }
0x59: {  	_ =	shalt  }
0x5a: {  	_ =	shalt  }
0x5b: {  	_ =	shalt  }
0x5c: {  	_ =	shalt  }
0x5d: {  	_ =	shalt  }
0x5e: {  	_ =	shalt  }
0x5f: {  	_ =	shalt  }
0x60: {  	_ =	shalt  }
0x61: {  	_ =	shalt  }
0x62: {  	_ =	shalt  }
0x63: {  	_ =	shalt  }
0x64: {  	_ =	shalt  }
0x65: {  	_ =	shalt  }
0x66: {  	_ =	shalt  }
0x67: {  	_ =	shalt  }
0x68: {  	_ =	shalt  }
0x69: {  	_ =	shalt  }
0x6a: {  	_ =	shalt  }
0x6b: {  	_ =	shalt  }
0x6c: {  	_ =	shalt  }
0x6d: {  	_ =	shalt  }
0x6e: {  	_ =	shalt  }
0x6f: {  	_ =	shalt  }
0x70: {  	_ =	shalt  }
0x71: {  	_ =	shalt  }
0x72: {  	_ =	shalt  }
0x73: {  	_ =	shalt  }
0x74: {  	_ =	shalt  }
0x75: {  	_ =	shalt  }
0x76: {  	_ =	shalt  }
0x77: {  	_ =	shalt  }
0x78: {  	_ =	shalt  }
0x79: {  	_ =	shalt  }
0x7a: {  	_ =	shalt  }
0x7b: {  	_ =	shalt  }
0x7c: {  	_ =	shalt  }
0x7d: {  	_ =	shalt  }
0x7e: {  	_ =	shalt  }
0x7f: {  	_ =	shalt  }
0x80: {  	_ =	shalt  }
0x81: {  	_ =	shalt  }
0x82: {  	_ =	shalt  }
0x83: {  	_ =	shalt  }
0x84: {  	_ =	shalt  }
0x85: {  	_ =	shalt  }
0x86: {  	_ =	shalt  }
0x87: {  	_ =	shalt  }
.Lfunc_end0:
.L_simem_size_0:
called_computation_lowered:
.L_overlay_start_0:
0x88: {  	s2 =	sld [smem:$0x3FD9]  }
0x89: {  	s3 =	sld [smem:$0x3FFE];
	_ =	sdelay $0x1  }
0x8a: {  	s1 =	srdreg.scid  }
0x8b: {  	s0 =	sand.u32 $0x1, s1  }
0x8c: {  	s17 =	sshll.u32 s0, $0xA;
	s2 =	sadd.s32 s3, s2  }
0x8d: {  	s2 =	sadd.s32 s2, s17  }
0x8e: {  	[smem:$0x3FC3] =	sst s2  }
0x8f: {  	_ = 	snop  }
0x90: {  	s2 =	sld [smem:$0x3FD0];
	(tm) =	ssettm $0x1  }
0x91: {  	s18 =	sld [smem:$0x3FFB];
	_ =	sdelay $0x3  }
0x92: {  	_ =	strace s18  }
0x93: {  	s3 =	sld [smem:$0x3FFC];
	_ =	sdelay $0x3  }
0x94: {  	_ =	strace s3  }
0x95: {  	s3 =	sld [smem:$0x3FFD];
	_ =	sdelay $0x3  }
0x96: {  	_ =	strace s3  }
0x97: {  	_ =	strace $0x8FFFFFFF  }
0x98: {  	s19 =	sld [smem:$0x3FDB];
	_ =	sdelay $0x1  }
0x99: {  	s4 =	simm.s32 $_scs_section_size  }
0x9a: {  	s5 =	simm.s32 $_size__tile_overlayer_lowered;
	s6 =	simm.s32 $_tile_overlayer_lowered  }
0x9b: {  	s22 =	simm.s32 $0x1BFF;
	s21 =	sshll.u32 s6, $0x1;
	s3 =	sadd.s32 s4, s19  }
0x9c: {  	s7 =	simm.s32 $0x0;
	s20 =	sshll.u32 s5, $0x1;
	s5 =	sadd.s32 s21, s3  }
0x9d: {  	[timem:s7], [sflag:s22] =	dma.local [hbm:s5], s20  }
0x9e: {  	_ =	swait.ge [sflag:s22], s20  }
0x9f: {  	s4 =	ssub.s32 $0x0, s20;
	[sflag:s22] =	ssyncset.done $0x0  }
0xa0: {  	[sflag:s22] =	ssyncadd.s32 s4;
	_ =	sdelay $0x1  }
0xa1: {  	s23 =	simm.s32 $0x1B8B  }
0xa2: {  	_ =	swait.ge [sflag:s23], $0x1  }
0xa3: {  	[sflag:s23] =	ssyncset.done $0x0  }
0xa4: {  	s25 =	simm.s32 $0x1B8E;
	s24 =	sld [smem:$0x3FFE];
	[sflag:s23] =	ssyncadd.s32 $0xFFFFFFFF  }
0xa5: {  	s26 =	simm.s32 $execute0_lowered;
	[smem:$0x3FD2] =	sst s25  }
0xa6: {  	s5 =	sshll.u32 s26, $0x1;
	_ =	strace $0x80000046;
	[dreg:$0x1] =	wrdreg $0xFFFFFFFF  }
0xa7: {  	s28 =	simm.s32 $_size_execute0_lowered;
	s3 =	sadd.s32 s3, s5;
	[dreg:$0x0] =	wrdreg $0x0  }
0xa8: {  	s5 =	sshll.u32 s28, $0x1;
	[dreg:$0x2] =	wrdreg s3  }
0xa9: {  	[dreg:$0x3] =	wrdreg s5  }
0xaa: {  	[dreg:$0x4] =	wrdreg $0xC0  }
0xab: {  	_ =	task [dreg:s7], $0x5FFFF  }
0xac: {  	[dreg:$0x1] =	wrdreg $0xFFFFFFFF  }
0xad: {  	[dreg:$0x0] =	wrdreg $0x60  }
0xae: {  	[dreg:$0x2] =	wrdreg s24  }
0xaf: {  	[dreg:$0x3] =	wrdreg s2  }
0xb0: {  	[dreg:$0x4] =	wrdreg $0x0  }
0xb1: {  	[dreg:$0x5] =	wrdreg $0x9  }
0xb2: {  	_ =	task.clear_ibuf [dreg:s7], $0x6FFFF;
	_ =	strace $0x90000046  }
0xb3: {  	s29 =	simm.s32 $0x9;
	_ =	strace $0x80000048  }
0xb4: {  	_ =	swait.ge [sflag:s29], $0x1  }
0xb5: {  	[sflag:s29] =	ssyncadd.s32 $0xFFFFFFFF  }
0xb6: {  	_ =	strace $0x90000048  }
0xb7: {  	_ =	sfence  }
0xb8: {  	s30 =	sld [smem:$0x0];
	_ =	sdelay $0x2  }
0xb9: {  	s31 =	sshll.u32 s1, $0xD;
	s1 =	sshrl.u32 s1, $0x2  }
0xba: {  	s3 =	sand.u32 $0x4000, s31;
	s1 =	sadd.s32 s1, s30  }
0xbb: {  	s0 =	sor.u32 s3, s0;
	s1 =	sshll.u32 s1, $0x11  }
0xbc: {  	s0 =	sor.u32 s1, s0  }
0xbd: {  	s0 =	sadd.s32 $0x8F2B, s0  }
0xbe: {  	[sflag:s0] =	ssyncadd.remote.s32 $0x1  }
0xbf: {  	_ =	sfence.sel $0xFFFF  }
0xc0: {  	[dreg:$0x0] =	wrdreg $0xFFFFFFFF;
	(pc) =	sbr.abs _section_cstart, $3  }
0xc1: {  	[dreg:$0x1] =	wrdreg $0xFFFFFFFF  }
0xc2: {  	_ =	task.clear_ibuf [dreg:s7], $0x2FFFF;
	_ =	strace $0x9FFFFFFF  }
0xc3: {  	(tm) =	ssettm $0x7FFFFFFF  }
tec
execute0_lowered:
.L_overlay_start_1:
0x0: {  	(tag) =	ssettag $0x1  }
0x1: {  	s0 =	rddreg [dreg:$0x0]  }
0x2: {  	s1 =	srdreg.scid;
	s9 =	rddreg [dreg:$0x1]  }
0x3: {  	s12 =	stileid.u32;
	s2 =	rddreg [dreg:$0x2];
	s13 =	simm.s32 $0xA  }
0x4: {  	s16 =	simm.s32 $0x9;
	s17 =	simm.s32 $0x68;
	s14 =	simm.s32 $0x1  }
0x5: {  	s15 =	simm.s32 $0x2;
	s18 =	simm.s32 $0x3;
	s19 =	simm.s32 $0x4  }
0x6: {  	s20 =	simm.s32 $0x5;
	s21 =	simm.s32 $0x6;
	s22 =	simm.s32 $0x7  }
0x7: {  	s23 =	simm.s32 $0x8;
	s24 =	simm.s32 $0x12920;
	s25 =	simm.s32 $0x0  }
0x8: {  	s1 =	sand.u32 $0x1, s1;
	s3 =	sshll.u32 s12, $0x1;
	s6 =	smul.u32 $0xF440, s12  }
0x9: {  	s30 =	sshll.u32 s12, $0x6;
	s12 =	simm.s32 $0xF440;
	s7 =	sor.u32 s1, s3  }
0xa: {  	s3 =	simm.s32 $0x0;
	s1 =	ssub.s32 $0x2, s1;
	s4 =	smul.u32 $0x680, s7  }
0xb: {  	[smem:$0x7FF] =	sst s3;
	s5 =	sshrl.u32 s6, $0x3;
	s11 =	sshrl.u32 s1, $0x1  }
0xc: {  	vm0 =	vmmov $0x3ff;
	vm1 =	vmmov $0x3;
	vm2 =	vmmov $0xfff;
	s29 =	sadd.s32 s6, s2;
	s31 =	sshll.u32 s7, $0x6;
	s7 =	sor.u32 $0x1C09, s30  }
0xd: {  	vm3 =	vmmov $0x1;
	vm4 =	vmmov $0xf;
	vm5 =	vmmov $0x3fff;
	_ =	strace $0x80000047;
	s10 =	sadd.s32 s5, s0;
	s5 =	sadd.s32 $0x2C600, s0  }
0xe: {  	vm6 =	vmmov $0x3f;
	vm7 =	vmmov $0x7;
	vm9 =	vmmov $0x1f;
	s28 =	ssub.s32 s1, s11;
	s9 =	sadd.s32 s9, s31;
	s11 =	sshrl.u32 s29, $0x3  }
0xf: {  	vm10 =	vmmov $0x7f;
	vm12 =	vmmov $0x1ff;
	vm13 =	vmmov $0x7ff;
	s8 =	sadd.s32 s4, s0;
	s4 =	sadd.s32 $0xDA00, s0;
	s6 =	sadd.s32 $0xDC00, s10  }
0x10: {  	vm15 =	vmmov $0x1fff;
	vm8 =	vmmov $0x7fff;
	vm14 =	vcmask $0x2320;
	s10 =	smax.u32 s28, $0x1;
	s0 =	simm.s32 $0x12DF8;
	s8 =	sadd.s32 $0xA00, s8  }
.LBB2_1:
0x11: {  	[spmem:s11], [sflag:s7] =	dma.local [hbm:s6], $0x1E88  }
0x12: {  	[tilespmem:s12], [sflag:$0xA] =	stream.linear.gather [hbm4b:s8+s3], $0x3400, $0x38;
	[tilespmem:$0x12E60] =	vst v63  }
0x13: {  	_ =	swait.ge [sflag:s13], $0x3400  }
0x14: {  	[sflag:s13] =	ssyncset.done $0x0  }
0x15: {  	s1 =	simm.s32 $0x12840;
	[sflag:s13] =	ssyncadd.s32 $0xFFFFCC00  }
0x16: {  	[tilespmem:s1], [sflag:$0xA] =	stream.linear.gather [hbm4b:s4+s3], $0xD0, $0x38;
	[tilespmem:$0x12E60] =	vst v63  }
0x17: {  	_ =	swait.ge [sflag:s13], $0xD0  }
0x18: {  	[sflag:s13] =	ssyncset.done $0x0  }
0x19: {  	s31 =	simm.s32 $0x12910;
	[sflag:s13] =	ssyncadd.s32 $0xFFFFFF30  }
0x1a: {  	[tilespmem:s31], [sflag:$0xA] =	stream.linear.gather [hbm4b:s5+s3], $0x10, $0x38;
	[tilespmem:$0x12E60] =	vst v63  }
0x1b: {  	_ =	swait.ge [sflag:s13], $0x10  }
0x1c: {  	[sflag:s13] =	ssyncset.done $0x0  }
0x1d: {  	[sflag:s13] =	ssyncadd.s32 $0xFFFFFFF0  }
0x1e: {  	v2 =	vld [tilespmem:$0x12840]  }
0x1f: {  	v4 =	vld [tilespmem:$0x12850]  }
0x20: {  	v6 =	vld [tilespmem:$0x12860]  }
0x21: {  	v8 =	vld [tilespmem:$0x12870]  }
0x22: {  	v9 =	vld [tilespmem:$0x12880]  }
0x23: {  	v11 =	vld [tilespmem:$0x12890]  }
0x24: {  	v12 =	vld [tilespmem:$0x128A0]  }
0x25: {  	v10 =	vld [tilespmem:$0x128B0]  }
0x26: {  	v7 =	vld [tilespmem:$0x128C0]  }
0x27: {  	v5 =	vld [tilespmem:$0x128D0]  }
0x28: {  	v3 =	vld [tilespmem:$0x128E0]  }
0x29: {  	v1 =	vld [tilespmem:$0x128F0]  }
0x2a: {  	s26 =	simm.s32 $0x0;
	v0 =	vld [tilespmem:$0x12900]  }
0x2b: {  	v13 =	vld [tilespmem:s26+$0xF440]  }
0x2c: {  	v14 =	vld [tilespmem:s26+$0xF450]  }
0x2d: {  	v15 =	vld [tilespmem:s26+$0xF460]  }
0x2e: {  	v16 =	vld [tilespmem:s26+$0xF470]  }
0x2f: {  	v17 =	vld [tilespmem:s26+$0xF480]  }
0x30: {  	v18 =	vld [tilespmem:s26+$0xF490];
	v13 =	vadd.s32 v2, v13  }
0x31: {  	v19 =	vld [tilespmem:s26+$0xF4A0];
	[tilespmem:s26+$0xF440] =	vst v13;
	v13 =	vadd.s32 v4, v14  }
0x32: {  	v14 =	vld [tilespmem:s26+$0xF4B0];
	[tilespmem:s26+$0xF450] =	vst v13;
	v13 =	vadd.s32 v6, v15  }
0x33: {  	v15 =	vadd.s32 v8, v16;
	[tilespmem:s26+$0xF460] =	vst v13;
	v13 =	vld [tilespmem:s26+$0xF4C0]  }
0x34: {  	v16 =	vadd.s32 v9, v17;
	[tilespmem:s26+$0xF470] =	vst v15;
	v15 =	vld [tilespmem:s26+$0xF4D0]  }
0x35: {  	v17 =	vadd.s32 v11, v18;
	[tilespmem:s26+$0xF480] =	vst v16;
	v16 =	vld [tilespmem:s26+$0xF4E0]  }
0x36: {  	s28 =	simm.s32 $0x340;
	v18 =	vadd.s32 v12, v19;
	[tilespmem:s26+$0xF490] =	vst v17;
	v17 =	vld [tilespmem:s26+$0xF4F0]  }
.LBB2_2:
0x37: {  	s29 =	sshra.s32 s28, $0x2;
	p0 =	sne.s32 s28, $0xCCC0;
	[tilespmem:s26+$0xF4A0] =	vst v18;
	v14 =	vadd.s32 v10, v14;
	v18 =	vld [tilespmem:s26+$0xF500]  }
0x38: {  	v19 =	vld [tilespmem:s29+$0xF440];
	[tilespmem:s26+$0xF4B0] =	vst v14;
	v13 =	vadd.s32 v7, v13  }
0x39: {  	v14 =	vld [tilespmem:s29+$0xF450];
	[tilespmem:s26+$0xF4C0] =	vst v13;
	v13 =	vadd.s32 v5, v15  }
0x3a: {  	v15 =	vld [tilespmem:s29+$0xF460];
	[tilespmem:s26+$0xF4D0] =	vst v13;
	v13 =	vadd.s32 v3, v16  }
0x3b: {  	v16 =	vld [tilespmem:s29+$0xF470];
	[tilespmem:s26+$0xF4E0] =	vst v13;
	v13 =	vadd.s32 v1, v17  }
0x3c: {  	v17 =	vld [tilespmem:s29+$0xF480];
	[tilespmem:s26+$0xF4F0] =	vst v13;
	v13 =	vadd.s32 v0, v18  }
0x3d: {  	v18 =	vadd.s32 v2, v19;
	v19 =	vld [tilespmem:s29+$0xF490];
	[tilespmem:s26+$0xF500] =	vst v13;
	s26 =	smov.u32 s29  }
0x3e: {  	[tilespmem:s26+$0xF440] =	vst v18;
	v13 =	vadd.s32 v4, v14;
	v18 =	vld [tilespmem:s26+$0xF4A0]  }
.Ltmp0:
0x3f: {  	[tilespmem:s26+$0xF450] =	vst v13;
	v13 =	vadd.s32 v6, v15;
	v14 =	vld [tilespmem:s26+$0xF4B0];
	(pc) =	sbr.rel @p0 .LBB2_2-.Ltmp0, $4  }
0x40: {  	[tilespmem:s26+$0xF460] =	vst v13;
	v15 =	vadd.s32 v8, v16;
	v13 =	vld [tilespmem:s26+$0xF4C0]  }
0x41: {  	[tilespmem:s26+$0xF470] =	vst v15;
	v16 =	vadd.s32 v9, v17;
	v15 =	vld [tilespmem:s26+$0xF4D0]  }
0x42: {  	[tilespmem:s26+$0xF480] =	vst v16;
	v17 =	vadd.s32 v11, v19;
	v16 =	vld [tilespmem:s26+$0xF4E0]  }
0x43: {  	s28 =	sadd.s32 $0x340, s28;
	[tilespmem:s26+$0xF490] =	vst v17;
	v18 =	vadd.s32 v12, v18;
	v17 =	vld [tilespmem:s26+$0xF4F0]  }
0x44: {  	[tilespmem:s26+$0xF4A0] =	vst v18;
	v2 =	vadd.s32 v10, v14;
	v4 =	vld [tilespmem:s26+$0xF500]  }
0x45: {  	[tilespmem:s26+$0xF4B0] =	vst v2;
	v61 =	vadd.s32 v7, v13  }
0x46: {  	[tilespmem:s26+$0xF4C0] =	vst v61;
	v62 =	vadd.s32 v5, v15  }
0x47: {  	[tilespmem:s26+$0xF4D0] =	vst v62;
	v63 =	vadd.s32 v3, v16  }
0x48: {  	[tilespmem:s26+$0xF4E0] =	vst v63;
	v1 =	vadd.s32 v1, v17  }
0x49: {  	[tilespmem:s26+$0xF4F0] =	vst v1;
	v0 =	vadd.s32 v0, v4  }
0x4a: {  	[tilespmem:s26+$0xF500] =	vst v0  }
0x4b: {  	_ =	swait.ge [sflag:s16], $0x1E88  }
0x4c: {  	[sflag:s16] =	ssyncset.done $0x0  }
0x4d: {  	[sflag:s16] =	ssyncadd.s32 $0xFFFFE178  }
0x4e: {  	s1 =	simm.s32 $0x12B20;
	[bflag:$0x0] =	sbarrier.arrive $0xFFFF  }
0x4f: {  	[tilespmem:s1], [sflag:$0x1] =	stream.indirect.gather [spmem:s2], $0x1, s12, s17, $0xb8;
	[tilespmem:$0x12E60] =	vst v63  }
0x50: {  	s30 =	simm.s32 $0xF4A8;
	s31 =	simm.s32 $0x12B88  }
0x51: {  	[tilespmem:s31], [sflag:$0x2] =	stream.indirect.gather [spmem:s2], $0x1, s30, s17, $0xb8;
	[tilespmem:$0x12E60] =	vst v63  }
0x52: {  	s29 =	simm.s32 $0x12BF0;
	s26 =	simm.s32 $0xF510  }
0x53: {  	[tilespmem:s29], [sflag:$0x3] =	stream.indirect.gather [spmem:s2], $0x1, s26, s17, $0xb8;
	[tilespmem:$0x12E60] =	vst v63  }
0x54: {  	s30 =	simm.s32 $0xF578;
	s31 =	simm.s32 $0x12C58  }
0x55: {  	[tilespmem:s31], [sflag:$0x4] =	stream.indirect.gather [spmem:s2], $0x1, s30, s17, $0xb8;
	[tilespmem:$0x12E60] =	vst v63  }
0x56: {  	s26 =	simm.s32 $0xF5E0;
	s29 =	simm.s32 $0x12CC0  }
0x57: {  	[tilespmem:s29], [sflag:$0x5] =	stream.indirect.gather [spmem:s2], $0x1, s26, s17, $0xb8;
	[tilespmem:$0x12E60] =	vst v63  }
0x58: {  	s30 =	simm.s32 $0xF648;
	s31 =	simm.s32 $0x12D28  }
0x59: {  	[tilespmem:s31], [sflag:$0x6] =	stream.indirect.gather [spmem:s2], $0x1, s30, s17, $0xb8;
	[tilespmem:$0x12E60] =	vst v63  }
0x5a: {  	s29 =	simm.s32 $0xF6B0;
	s30 =	simm.s32 $0x12D90  }
0x5b: {  	[tilespmem:s30], [sflag:$0x7] =	stream.indirect.gather [spmem:s2], $0x1, s29, s17, $0xb8;
	[tilespmem:$0x12E60] =	vst v63  }
0x5c: {  	s28 =	simm.s32 $0x12930;
	s26 =	simm.s32 $0x0;
	s31 =	simm.s32 $0xF718  }
0x5d: {  	[tilespmem:s0], [sflag:$0x8] =	stream.indirect.gather [spmem:s2], $0x1, s31, s17, $0xb8;
	[tilespmem:$0x12E60] =	vst v63  }
.LBB2_4:
0x5e: {  	_ =	swait.ge [sflag:s14], $0x68  }
0x5f: {  	[sflag:s14] =	ssyncset.done $0x0  }
0x60: {  	[sflag:s14] =	ssyncadd.s32 $0xFFFFFF98  }
0x61: {  	v0 =	vld [tilespmem:$0x12B20]  }
0x62: {  	v1 =	vld [tilespmem:$0x12B30]  }
0x63: {  	v2 =	vld [tilespmem:$0x12B38]  }
0x64: {  	v3 =	vld [tilespmem:$0x12B48]  }
0x65: {  	v4 =	vld [tilespmem:$0x12B50]  }
0x66: {  	v5 =	vld [tilespmem:$0x12B60]  }
0x67: {  	v6 =	vld [tilespmem:$0x12B68]  }
0x68: {  	v7 =	vld [tilespmem:$0x12B78]  }
0x69: {  	v1 =	vnsel vm0, $0x0, v1  }
0x6a: {  	v0 =	vadd.f32 v1, v0;
	v1 =	vsel vm1, $0x0, v2;
	v2 =	vnsel vm2, $0x0, v3  }
0x6b: {  	v3 =	vnsel vm5, $0x0, v5;
	v1 =	vadd.f32 v2, v1;
	v2 =	vsel vm4, $0x0, v4  }
0x6c: {  	(xrf2) =	vadd.scan.msk.f32 $0xffff, v0;
	v0 =	vadd.f32 v3, v2;
	v2 =	vsel vm6, $0x0, v6  }
0x6d: {  	(xrf2) =	vadd.scan.msk.f32 $0xffff, v1;
	v1 =	vadd.f32 v7, v2  }
0x6e: {  	(xrf2) =	vadd.scan.msk.f32 $0xffff, v0  }
0x6f: {  	(xrf2) =	vadd.scan.msk.f32 $0xffff, v1;
	_ =	sdelay $0x6  }
0x70: {  	p0 =	seq.s32 s26, $0xC300;
	v0, _, _ =	vpop (xrf2)  }
0x71: {  	s29 =	sshra.s32 @!p0 s26, $0x2;
	v1, _, _ =	vpop (xrf2)  }
0x72: {  	s30 =	simm.s32 @!p0 $0x68;
	s1 =	simm.s32 @!p0 $0x12B20;
	s31 =	sadd.s32 @!p0 $0xF780, s29;
	v2, _, _ =	vpop (xrf2)  }
0x73: {  	[tilespmem:s1], [sflag:$0x1] =	stream.indirect.gather @!p0 [spmem:s2], $0x1, s31, s30, $0xb8;
	v3, _, _ =	vpop (xrf2);
	[tilespmem:$0x12E60] =	vst v63  }
0x74: {  	_ =	swait.ge [sflag:s15], $0x68  }
0x75: {  	[sflag:s15] =	ssyncset.done $0x0  }
0x76: {  	[sflag:s15] =	ssyncadd.s32 $0xFFFFFF98  }
0x77: {  	v48 =	vld [tilespmem:$0x12B88]  }
0x78: {  	v49 =	vld [tilespmem:$0x12B98]  }
0x79: {  	v50 =	vld [tilespmem:$0x12BA0]  }
0x7a: {  	v51 =	vld [tilespmem:$0x12BB0]  }
0x7b: {  	v8 =	vld [tilespmem:$0x12BB8]  }
0x7c: {  	v9 =	vld [tilespmem:$0x12BC8]  }
0x7d: {  	v10 =	vld [tilespmem:$0x12BD0]  }
0x7e: {  	v11 =	vld [tilespmem:$0x12BE0]  }
0x7f: {  	v5 =	vnsel vm0, $0x0, v49  }
0x80: {  	v52 =	vsel vm1, $0x0, v50;
	v53 =	vnsel vm2, $0x0, v51;
	v4 =	vadd.f32 v5, v48  }
0x81: {  	v54 =	vsel vm4, $0x0, v8;
	v55 =	vnsel vm5, $0x0, v9;
	v5 =	vadd.f32 v53, v52  }
0x82: {  	v57 =	vsel vm6, $0x0, v10;
	v56 =	vadd.f32 v55, v54;
	(xrf2) =	vadd.scan.msk.f32 $0xffff, v4  }
0x83: {  	v58 =	vadd.f32 v11, v57;
	(xrf2) =	vadd.scan.msk.f32 $0xffff, v5  }
0x84: {  	(xrf2) =	vadd.scan.msk.f32 $0xffff, v56  }
0x85: {  	(xrf2) =	vadd.scan.msk.f32 $0xffff, v58;
	_ =	sdelay $0x6  }
0x86: {  	v12, _, _ =	vpop (xrf2)  }
0x87: {  	v10, _, _ =	vpop (xrf2)  }
0x88: {  	s1 =	sadd.s32 @!p0 $0xF7E8, s29;
	s31 =	simm.s32 @!p0 $0x12B88;
	v8, _, _ =	vpop (xrf2)  }
0x89: {  	[tilespmem:s31], [sflag:$0x2] =	stream.indirect.gather @!p0 [spmem:s2], $0x1, s1, s30, $0xb8;
	v7, _, _ =	vpop (xrf2);
	[tilespmem:$0x12E60] =	vst v63  }
0x8a: {  	_ =	swait.ge [sflag:s18], $0x68  }
0x8b: {  	[sflag:s18] =	ssyncset.done $0x0  }
0x8c: {  	[sflag:s18] =	ssyncadd.s32 $0xFFFFFF98  }
0x8d: {  	v59 =	vld [tilespmem:$0x12BF0]  }
0x8e: {  	v60 =	vld [tilespmem:$0x12C00]  }
0x8f: {  	v61 =	vld [tilespmem:$0x12C08]  }
0x90: {  	v62 =	vld [tilespmem:$0x12C18]  }
0x91: {  	v63 =	vld [tilespmem:$0x12C20]  }
0x92: {  	v13 =	vld [tilespmem:$0x12C30]  }
0x93: {  	v14 =	vld [tilespmem:$0x12C38]  }
0x94: {  	v15 =	vld [tilespmem:$0x12C48]  }
0x95: {  	v5 =	vnsel vm0, $0x0, v60  }
0x96: {  	v16 =	vsel vm1, $0x0, v61;
	v17 =	vnsel vm2, $0x0, v62;
	v4 =	vadd.f32 v5, v59  }
0x97: {  	v18 =	vsel vm4, $0x0, v63;
	v19 =	vnsel vm5, $0x0, v13;
	v5 =	vadd.f32 v17, v16  }
0x98: {  	v21 =	vsel vm6, $0x0, v14;
	v20 =	vadd.f32 v19, v18;
	(xrf2) =	vadd.scan.msk.f32 $0xffff, v4  }
0x99: {  	v22 =	vadd.f32 v15, v21;
	(xrf2) =	vadd.scan.msk.f32 $0xffff, v5  }
0x9a: {  	(xrf2) =	vadd.scan.msk.f32 $0xffff, v20  }
0x9b: {  	(xrf2) =	vadd.scan.msk.f32 $0xffff, v22;
	_ =	sdelay $0x6  }
0x9c: {  	v15, _, _ =	vpop (xrf2)  }
0x9d: {  	v9, _, _ =	vpop (xrf2)  }
0x9e: {  	s1 =	sadd.s32 @!p0 $0xF850, s29;
	s31 =	simm.s32 @!p0 $0x12BF0;
	v5, _, _ =	vpop (xrf2)  }
0x9f: {  	[tilespmem:s31], [sflag:$0x3] =	stream.indirect.gather @!p0 [spmem:s2], $0x1, s1, s30, $0xb8;
	v4, _, _ =	vpop (xrf2);
	[tilespmem:$0x12E60] =	vst v63  }
0xa0: {  	_ =	swait.ge [sflag:s19], $0x68  }
0xa1: {  	[sflag:s19] =	ssyncset.done $0x0  }
0xa2: {  	[sflag:s19] =	ssyncadd.s32 $0xFFFFFF98  }
0xa3: {  	v23 =	vld [tilespmem:$0x12C58]  }
0xa4: {  	v24 =	vld [tilespmem:$0x12C68]  }
0xa5: {  	v25 =	vld [tilespmem:$0x12C70]  }
0xa6: {  	v26 =	vld [tilespmem:$0x12C80]  }
0xa7: {  	v16 =	vld [tilespmem:$0x12C88]  }
0xa8: {  	v17 =	vld [tilespmem:$0x12C98]  }
0xa9: {  	v18 =	vld [tilespmem:$0x12CA0]  }
0xaa: {  	v19 =	vld [tilespmem:$0x12CB0]  }
0xab: {  	v11 =	vnsel vm0, $0x0, v24  }
0xac: {  	v27 =	vsel vm1, $0x0, v25;
	v28 =	vnsel vm2, $0x0, v26;
	v6 =	vadd.f32 v11, v23  }
0xad: {  	v29 =	vsel vm4, $0x0, v16;
	v30 =	vnsel vm5, $0x0, v17;
	v11 =	vadd.f32 v28, v27  }
0xae: {  	v32 =	vsel vm6, $0x0, v18;
	v31 =	vadd.f32 v30, v29;
	(xrf2) =	vadd.scan.msk.f32 $0xffff, v6  }
0xaf: {  	v33 =	vadd.f32 v19, v32;
	(xrf2) =	vadd.scan.msk.f32 $0xffff, v11  }
0xb0: {  	(xrf2) =	vadd.scan.msk.f32 $0xffff, v31  }
0xb1: {  	(xrf2) =	vadd.scan.msk.f32 $0xffff, v33;
	_ =	sdelay $0x6  }
0xb2: {  	v14, _, _ =	vpop (xrf2)  }
0xb3: {  	v13, _, _ =	vpop (xrf2)  }
0xb4: {  	s1 =	sadd.s32 @!p0 $0xF8B8, s29;
	s31 =	simm.s32 @!p0 $0x12C58;
	v11, _, _ =	vpop (xrf2)  }
0xb5: {  	[tilespmem:s31], [sflag:$0x4] =	stream.indirect.gather @!p0 [spmem:s2], $0x1, s1, s30, $0xb8;
	v6, _, _ =	vpop (xrf2);
	[tilespmem:$0x12E60] =	vst v63  }
0xb6: {  	_ =	swait.ge [sflag:s20], $0x68  }
0xb7: {  	[sflag:s20] =	ssyncset.done $0x0  }
0xb8: {  	[sflag:s20] =	ssyncadd.s32 $0xFFFFFF98  }
0xb9: {  	v34 =	vld [tilespmem:$0x12CC0]  }
0xba: {  	v35 =	vld [tilespmem:$0x12CD0]  }
0xbb: {  	v36 =	vld [tilespmem:$0x12CD8]  }
0xbc: {  	v37 =	vld [tilespmem:$0x12CE8]  }
0xbd: {  	v20 =	vld [tilespmem:$0x12CF0]  }
0xbe: {  	v21 =	vld [tilespmem:$0x12D00]  }
0xbf: {  	v22 =	vld [tilespmem:$0x12D08]  }
0xc0: {  	v23 =	vld [tilespmem:$0x12D18]  }
0xc1: {  	v17 =	vnsel vm0, $0x0, v35  }
0xc2: {  	v38 =	vsel vm1, $0x0, v36;
	v39 =	vnsel vm2, $0x0, v37;
	v16 =	vadd.f32 v17, v34  }
0xc3: {  	v40 =	vsel vm4, $0x0, v20;
	v41 =	vnsel vm5, $0x0, v21;
	v17 =	vadd.f32 v39, v38  }
0xc4: {  	v43 =	vsel vm6, $0x0, v22;
	v42 =	vadd.f32 v41, v40;
	(xrf2) =	vadd.scan.msk.f32 $0xffff, v16  }
0xc5: {  	v44 =	vadd.f32 v23, v43;
	(xrf2) =	vadd.scan.msk.f32 $0xffff, v17  }
0xc6: {  	(xrf2) =	vadd.scan.msk.f32 $0xffff, v42  }
0xc7: {  	(xrf2) =	vadd.scan.msk.f32 $0xffff, v44;
	_ =	sdelay $0x6  }
0xc8: {  	v16, _, _ =	vpop (xrf2)  }
0xc9: {  	v17, _, _ =	vpop (xrf2)  }
0xca: {  	s1 =	sadd.s32 @!p0 $0xF920, s29;
	s31 =	simm.s32 @!p0 $0x12CC0;
	v18, _, _ =	vpop (xrf2)  }
0xcb: {  	[tilespmem:s31], [sflag:$0x5] =	stream.indirect.gather @!p0 [spmem:s2], $0x1, s1, s30, $0xb8;
	v19, _, _ =	vpop (xrf2);
	[tilespmem:$0x12E60] =	vst v63  }
0xcc: {  	_ =	swait.ge [sflag:s21], $0x68  }
0xcd: {  	[sflag:s21] =	ssyncset.done $0x0  }
0xce: {  	[sflag:s21] =	ssyncadd.s32 $0xFFFFFF98  }
0xcf: {  	v45 =	vld [tilespmem:$0x12D28]  }
0xd0: {  	v46 =	vld [tilespmem:$0x12D38]  }
0xd1: {  	v47 =	vld [tilespmem:$0x12D40]  }
0xd2: {  	v48 =	vld [tilespmem:$0x12D50]  }
0xd3: {  	v24 =	vld [tilespmem:$0x12D58]  }
0xd4: {  	v25 =	vld [tilespmem:$0x12D68]  }
0xd5: {  	v26 =	vld [tilespmem:$0x12D70]  }
0xd6: {  	v27 =	vld [tilespmem:$0x12D80]  }
0xd7: {  	v21 =	vnsel vm0, $0x0, v46  }
0xd8: {  	v49 =	vsel vm1, $0x0, v47;
	v50 =	vnsel vm2, $0x0, v48;
	v20 =	vadd.f32 v21, v45  }
0xd9: {  	v51 =	vsel vm4, $0x0, v24;
	v52 =	vnsel vm5, $0x0, v25;
	v21 =	vadd.f32 v50, v49  }
0xda: {  	v54 =	vsel vm6, $0x0, v26;
	v53 =	vadd.f32 v52, v51;
	(xrf2) =	vadd.scan.msk.f32 $0xffff, v20  }
0xdb: {  	v55 =	vadd.f32 v27, v54;
	(xrf2) =	vadd.scan.msk.f32 $0xffff, v21  }
0xdc: {  	(xrf2) =	vadd.scan.msk.f32 $0xffff, v53  }
0xdd: {  	(xrf2) =	vadd.scan.msk.f32 $0xffff, v55;
	_ =	sdelay $0x6  }
0xde: {  	v56, _, _ =	vpop (xrf2)  }
0xdf: {  	v57, _, _ =	vpop (xrf2)  }
0xe0: {  	s1 =	sadd.s32 @!p0 $0xF988, s29;
	s31 =	simm.s32 @!p0 $0x12D28;
	v58, _, _ =	vpop (xrf2)  }
0xe1: {  	[tilespmem:s31], [sflag:$0x6] =	stream.indirect.gather @!p0 [spmem:s2], $0x1, s1, s30, $0xb8;
	v59, _, _ =	vpop (xrf2);
	[tilespmem:$0x12E60] =	vst v63  }
0xe2: {  	_ =	swait.ge [sflag:s22], $0x68  }
0xe3: {  	[sflag:s22] =	ssyncset.done $0x0  }
0xe4: {  	[sflag:s22] =	ssyncadd.s32 $0xFFFFFF98  }
0xe5: {  	v60 =	vld [tilespmem:$0x12D90]  }
0xe6: {  	v61 =	vld [tilespmem:$0x12DA0]  }
0xe7: {  	v62 =	vld [tilespmem:$0x12DA8]  }
0xe8: {  	v63 =	vld [tilespmem:$0x12DB8]  }
0xe9: {  	v28 =	vld [tilespmem:$0x12DC0]  }
0xea: {  	v29 =	vld [tilespmem:$0x12DD0]  }
0xeb: {  	v30 =	vld [tilespmem:$0x12DD8]  }
0xec: {  	v31 =	vld [tilespmem:$0x12DE8]  }
0xed: {  	v25 =	vnsel vm0, $0x0, v61  }
0xee: {  	v33 =	vsel vm1, $0x0, v62;
	v34 =	vnsel vm2, $0x0, v63;
	v24 =	vadd.f32 v25, v60  }
0xef: {  	v35 =	vsel vm4, $0x0, v28;
	v36 =	vnsel vm5, $0x0, v29;
	v25 =	vadd.f32 v34, v33  }
0xf0: {  	v38 =	vsel vm6, $0x0, v30;
	v37 =	vadd.f32 v36, v35;
	(xrf2) =	vadd.scan.msk.f32 $0xffff, v24  }
0xf1: {  	v39 =	vadd.f32 v31, v38;
	(xrf2) =	vadd.scan.msk.f32 $0xffff, v25  }
0xf2: {  	(xrf2) =	vadd.scan.msk.f32 $0xffff, v37  }
0xf3: {  	(xrf2) =	vadd.scan.msk.f32 $0xffff, v39;
	_ =	sdelay $0x6  }
0xf4: {  	v40, _, _ =	vpop (xrf2)  }
0xf5: {  	v41, _, _ =	vpop (xrf2)  }
0xf6: {  	s1 =	sadd.s32 @!p0 $0xF9F0, s29;
	s29 =	simm.s32 @!p0 $0x12D90;
	v42, _, _ =	vpop (xrf2)  }
0xf7: {  	[tilespmem:s29], [sflag:$0x7] =	stream.indirect.gather @!p0 [spmem:s2], $0x1, s1, s30, $0xb8;
	v43, _, _ =	vpop (xrf2);
	[tilespmem:$0x12E60] =	vst v63  }
0xf8: {  	_ =	swait.ge [sflag:s23], $0x68  }
0xf9: {  	[sflag:s23] =	ssyncset.done $0x0  }
0xfa: {  	[sflag:s23] =	ssyncadd.s32 $0xFFFFFF98  }
0xfb: {  	v0 =	vbroadcast v0, $0xF;
	v1 =	vbroadcast v1, $0xF;
	v44 =	vld [tilespmem:$0x12DF8]  }
0xfc: {  	v2 =	vbroadcast v2, $0xF;
	v45 =	vld [tilespmem:$0x12E08]  }
0xfd: {  	v0 =	vsel vm3, v0, v1;
	v1 =	vbroadcast v3, $0xF;
	v3 =	vld [tilespmem:$0x12E10]  }
0xfe: {  	v0 =	vsel vm1, v0, v2;
	v2 =	vbroadcast v12, $0xF;
	v46 =	vld [tilespmem:$0x12E20]  }
0xff: {  	vm11 =	vcmask $0x1310;
	v0 =	vsel vm7, v0, v1;
	v1 =	vbroadcast v10, $0xF;
	v47 =	vld [tilespmem:$0x12E28]  }
0x100: {  	v0 =	vsel vm11, v2, v0;
	v2 =	vbroadcast v8, $0xF;
	v48 =	vld [tilespmem:$0x12E38]  }
0x101: {  	v0 =	vsel vm9, v0, v1  }
0x102: {  	v1 =	vbroadcast v7, $0xF;
	v0 =	vsel vm6, v0, v2  }
0x103: {  	v50 =	vld [tilespmem:$0x12E40];
	v2 =	vnsel vm0, $0x0, v45;
	v3 =	vsel vm1, $0x0, v3;
	v49 =	vnsel vm2, $0x0, v46  }
0x104: {  	v0 =	vsel vm10, v0, v1;
	v1 =	vadd.f32 v2, v44;
	v2 =	vadd.f32 v49, v3;
	v3 =	vld [tilespmem:$0x12E50]  }
0x105: {  	v51 =	vbroadcast v15, $0xF;
	v10 =	vsel vm4, $0x0, v47;
	v8 =	vnsel vm5, $0x0, v48  }
0x106: {  	v52 =	vbroadcast v16, $0xF;
	v53 =	vbroadcast v17, $0xF;
	(xrf2) =	vadd.scan.msk.f32 $0xffff, v1;
	v1 =	vadd.f32 v8, v10  }
0x107: {  	v0 =	vsel vm14, v51, v0;
	(xrf2) =	vadd.scan.msk.f32 $0xffff, v2;
	v2 =	vbroadcast v18, $0xF  }
0x108: {  	v54 =	vsel vm3, v52, v53;
	v55 =	vsel vm6, $0x0, v50;
	(xrf2) =	vadd.scan.msk.f32 $0xffff, v1;
	v1 =	vbroadcast v19, $0xF  }
0x109: {  	v56 =	vbroadcast v56, $0xF;
	v2 =	vsel vm1, v54, v2;
	v3 =	vadd.f32 v3, v55  }
0x10a: {  	v57 =	vbroadcast v57, $0xF;
	v1 =	vsel vm7, v2, v1;
	v2 =	vbroadcast v9, $0xF  }
0x10b: {  	v58 =	vbroadcast v58, $0xF;
	v1 =	vsel vm11, v56, v1;
	(xrf2) =	vadd.scan.msk.f32 $0xffff, v3;
	v3 =	vbroadcast v5, $0xF  }
0x10c: {  	v0 =	vsel vm12, v0, v2;
	v1 =	vsel vm9, v1, v57;
	v2 =	vbroadcast v59, $0xF  }
0x10d: {  	v0 =	vsel vm0, v0, v3;
	v1 =	vsel vm6, v1, v58;
	v3 =	vbroadcast v40, $0xF  }
0x10e: {  	v59 =	vbroadcast v41, $0xF;
	v1 =	vsel vm10, v1, v2;
	v2 =	vbroadcast v4, $0xF  }
0x10f: {  	v1 =	vsel vm14, v3, v1;
	v3 =	vbroadcast v42, $0xF  }
0x110: {  	v61, _, _ =	vpop (xrf2);
	v0 =	vsel vm13, v0, v2;
	v1 =	vsel vm12, v1, v59;
	v2 =	vbroadcast v43, $0xF  }
0x111: {  	v1 =	vsel vm0, v1, v3;
	v3 =	vbroadcast v61, $0xF  }
0x112: {  	vm11 =	vcmask $0x3330;
	v1 =	vsel vm13, v1, v2  }
0x113: {  	v60 =	vbroadcast v14, $0xF;
	v62, _, _ =	vpop (xrf2);
	v1 =	vsel vm11, v3, v1;
	v3 =	vbroadcast v11, $0xF  }
.Ltmp1:
0x114: {  	v63, _, _ =	vpop (xrf2);
	v2 =	vbroadcast v13, $0xF;
	v4 =	vbroadcast v62, $0xF;
	(pc) =	sbr.rel @p0 .LBB2_6-.Ltmp1, $4  }
0x115: {  	v0 =	vsel vm11, v60, v0;
	v5 =	vbroadcast v63, $0xF  }
0x116: {  	v0 =	vsel vm15, v0, v2;
	v1 =	vsel vm15, v1, v4  }
0x117: {  	v0 =	vsel vm5, v0, v3;
	v2 =	vsel vm5, v1, v5;
	v3, _, _ =	vpop (xrf2)  }
0x118: {  	v1 =	vsel vm8, v0, v6;
	v0 =	vsel vm8, v2, v3  }
.Ltmp2:
0x119: {  	s1 =	sshra.s32 s26, $0x2;
	(pc) =	sbr.rel .LBB2_4-.Ltmp2, $4  }
0x11a: {  	s1 =	sadd.s32 $0xFA58, s1  }
0x11b: {  	[tilespmem:s0], [sflag:$0x8] =	stream.indirect.gather [spmem:s2], $0x1, s1, s17, $0xb8;
	[tilespmem:$0x12E60] =	vst v63  }
0x11c: {  	[tilespmem:s28+$0xFFFFFFF0] =	vst v1  }
0x11d: {  	s26 =	sadd.s32 $0xD00, s26;
	[tilespmem:s28+$0x0] =	vst v0;
	s28 =	sadd.s32 $0x20, s28  }
.LBB2_6:
0x11e: {  	[tilespmem:$0x12B00] =	vst v1  }
0x11f: {  	[tilespmem:$0x12B10] =	vst v0;
	v0 =	vld [tilespmem:$0x12910];
	s26 =	simm.s32 $0x0;
	s28 =	simm.s32 $0x40  }
.LBB2_7:
0x120: {  	p0 =	sne.s32 s28, $0x7C0;
	v1 =	vld [tilespmem:s26+$0x12920];
	_ =	sdelay $0x4  }
0x121: {  	v1 =	vadd.f32 v1, v0;
	_ =	sdelay $0x1  }
0x122: {  	v1 =	vsub.f32 $0.0e+00, v1;
	_ =	sdelay $0x1  }
0x123: {  	v1 =	vmul.f32 $1.442695020e+00, v1;
	_ =	sdelay $0x1  }
0x124: {  	(erf) = vpow2.f32 v1;
	_ =	sdelay $0x8  }
0x125: {  	v1 =	vpop (erf)  }
0x126: {  	v1 =	vadd.f32 $1.000000000e+00, v1;
	_ =	sdelay $0x1  }
0x127: {  	(erf) = vrcp.f32 v1;
	_ =	sdelay $0x5  }
.Ltmp3:
0x128: {  	(pc) =	sbr.rel @p0 .LBB2_7-.Ltmp3, $3  }
0x129: {  	_ =	sdelay $0x1  }
0x12a: {  	v1 =	vpop (erf)  }
0x12b: {  	[tilespmem:s26+$0x12920] =	vst v1;
	s26 =	sshra.s32 s28, $0x2;
	s28 =	sadd.s32 $0x40, s28  }
0x12c: {  	v1 =	vld [tilespmem:s26+$0x12920];
	_ =	sdelay $0x4  }
0x12d: {  	v0 =	vadd.f32 v1, v0;
	_ =	sdelay $0x1  }
0x12e: {  	v0 =	vsub.f32 $0.0e+00, v0;
	_ =	sdelay $0x1  }
0x12f: {  	v0 =	vmul.f32 $1.442695020e+00, v0;
	_ =	sdelay $0x1  }
0x130: {  	(erf) = vpow2.f32 v0;
	_ =	sdelay $0x8  }
0x131: {  	v0 =	vpop (erf)  }
0x132: {  	v0 =	vadd.f32 $1.000000000e+00, v0;
	_ =	sdelay $0x1  }
0x133: {  	(erf) = vrcp.f32 v0;
	_ =	sdelay $0x7  }
0x134: {  	s25 =	sadd.s32 $0x1, s25  }
0x135: {  	p0 =	sne.s32 s25, s10;
	v0 =	vpop (erf)  }
.Ltmp4:
0x136: {  	[tilespmem:s26+$0x12920] =	vst v0;
	(pc) =	sbr.rel @p0 .LBB2_1-.Ltmp4, $4  }
0x137: {  	[hbm4b:s9+s3] =	stream.linear.scatter [tilespmem:s24], [sflag:$0xA], $0x200, $0x38;
	[tilespmem:$0x12E60] =	vst v63  }
0x138: {  	_ =	swait.ge [sflag:s13], $0x200  }
0x139: {  	[sflag:s13] =	ssyncset.done $0x0  }
0x13a: {  	[sflag:s13] =	ssyncadd.s32 $0xFFFFFE00  }
0x13b: {  	_ =	sfence.sel $0x180000  }
0x13c: {  	[bflag:$0x0] =	sbarrier.arrive $0xFFFF  }
0x13d: {  	_ =	strace $0x90000047  }
0x13e: {  	s0 =	stileid.u32;
	[bflag:$0x2] =	sbarrier.arrive $0xFFFF  }
0x13f: {  	p0 =	sne.s32 s0, $0x0;
	s0 =	rddreg [dreg:$0x3]  }
0x140: {  	s0 =	sadd.s32 @!p0 $0x100000, s0  }
0x141: {  	[sflag:s0] =	ssyncadd.tile.s32 @!p0 $0x1;
	_ =	shalt  }
.Lfunc_end2:
_tile_overlayer_lowered:
.L_overlay_start_2:
0x142: {  	(tag) =	ssettag $0x2  }
0x143: {  	s0 =	rddreg [dreg:$0x0];
	s2 =	stileid.u32  }
0x144: {  	s1 =	rddreg [dreg:$0x1];
	p0 =	sne.s32 s2, $0x0  }
0x145: {  	s3 =	rddreg [dreg:$0x2];
	[bflag:$0x3] =	sbarrier.arrive $0xFFFF;
	s2 =	simm.s32 @!p0 $0x1C0A  }
0x146: {  	[timem:s3], [sflag:s2] =	dma.local @!p0 [hbm:s0], s1  }
0x147: {  	s0 =	simm.s32 @!p0 $0xA  }
0x148: {  	_ =	swait.ge @!p0 [sflag:s0], s1  }
0x149: {  	s1 =	ssub.s32 @!p0 $0x0, s1;
	[sflag:s0] =	ssyncset.done @!p0 $0x0  }
0x14a: {  	[sflag:s0] =	ssyncadd.s32 @!p0 s1  }
0x14b: {  	[bflag:$0x3] =	sbarrier.arrive $0xFFFF  }
0x14c: {  	_ =	shalt  }

</sc_bundles>
